<compile_context>
chip_gen: v7x
topology: tpu7x:2x2x1
jax: 0.10.2.dev20260603
libtpu: 0.0.44.dev20260713+nightly
codegen_flags: <defaults>
</compile_context>

<pallas_src>
import jax
import jax.numpy as jnp
from jax import lax
from jax.experimental import pallas as pl
from jax.experimental.pallas import tpu as pltpu
from jax.experimental.pallas import tpu_sc as plsc

_NUM_FIELDS = 26
_VOCAB = 100000
_EMBED_DIM = 32
_BATCH = 16384

_NW = 32
_HALF = _BATCH // 2
_VEC = 16
_SPLIT = 50048
_VB = _VOCAB - _SPLIT


def _gather_body(xt_hbm, tabt_hbm, outt_hbm, src_a, src_b, idx_v, out_v,
                 x_sp, sem_a, sem_b, sem_i, sem_o, sem_x):
  cid = lax.axis_index("c")
  sid = lax.axis_index("s")
  d = sid * 2 + cid
  is_leader = sid == 0

  def fire_x(f, slot):
    @pl.when(is_leader)
    def _():
      pltpu.async_copy(xt_hbm.at[f], x_sp.at[slot], sem_x)

  def wait_x():
    @pl.when(is_leader)
    def _():
      pltpu.make_async_copy(xt_hbm.at[0], x_sp.at[0], sem_x).wait()

  def fire_a(f):
    pltpu.async_copy(tabt_hbm.at[f, d, pl.ds(0, _SPLIT)], src_a, sem_a)

  def fire_b(f):
    pltpu.async_copy(tabt_hbm.at[f, d, pl.ds(_SPLIT, _VB)], src_b, sem_b)

  def wait_a():
    pltpu.make_async_copy(
        tabt_hbm.at[0, 0, pl.ds(0, _SPLIT)], src_a, sem_a).wait()

  def wait_b():
    pltpu.make_async_copy(
        tabt_hbm.at[0, 0, pl.ds(_SPLIT, _VB)], src_b, sem_b).wait()

  def fire_idx(f, h, buf):
    pltpu.async_copy(
        x_sp.at[f % 2, pl.ds(h * _HALF, _HALF)], idx_v.at[buf],
        sem_i.at[buf])

  def wait_idx(buf):
    pltpu.make_async_copy(
        x_sp.at[0, pl.ds(0, _HALF)], idx_v.at[buf], sem_i.at[buf]).wait()

  def fire_out(f, h):
    pltpu.async_copy(
        out_v, outt_hbm.at[f, d, pl.ds(h * _HALF, _HALF)], sem_o)

  def wait_out():
    pltpu.make_async_copy(
        out_v, outt_hbm.at[0, 0, pl.ds(0, _HALF)], sem_o).wait()

  iota = lax.iota(jnp.int32, _VEC)

  def pass_a(buf):
    @plsc.parallel_loop(0, _HALF // _VEC, unroll=4)
    def _(i):
      vec = idx_v[buf, pl.ds(i * _VEC, _VEC)]
      g = plsc.load_gather(src_a, [jnp.minimum(vec, _SPLIT - 1)])
      out_v[pl.ds(i * _VEC, _VEC)] = g

  def pass_b(buf):
    @plsc.parallel_loop(0, _HALF // _VEC, unroll=4)
    def _(i):
      vec = idx_v[buf, pl.ds(i * _VEC, _VEC)] - _SPLIT
      m = vec >= 0
      g = plsc.load_gather(src_b, [vec], mask=m)
      plsc.store_scatter(out_v, [i * _VEC + iota], g, mask=m)

  fire_a(0)
  fire_b(0)
  fire_x(0, 0)
  fire_x(1, 1)
  wait_x()
  plsc.subcore_barrier()
  fire_idx(0, 0, 0)

  wait_idx(0)
  fire_idx(0, 1, 1)
  wait_a()
  pass_a(0)
  wait_b()
  pass_b(0)
  fire_out(0, 0)
  wait_idx(1)
  wait_out()
  pass_a(1)
  fire_a(1)
  wait_x()
  plsc.subcore_barrier()
  fire_x(2, 0)
  fire_idx(1, 0, 0)
  pass_b(1)
  fire_b(1)
  fire_out(0, 1)

  def field_step(f, _):
    fnext = jnp.minimum(f + 1, _NUM_FIELDS - 1)
    wait_idx(0)
    fire_idx(f, 1, 1)
    wait_a()
    wait_out()
    pass_a(0)
    wait_b()
    pass_b(0)
    fire_out(f, 0)
    wait_idx(1)
    wait_out()
    pass_a(1)
    fire_a(fnext)
    wait_x()
    plsc.subcore_barrier()
    fire_x(jnp.minimum(f + 2, _NUM_FIELDS - 1), f % 2)
    fire_idx(fnext, 0, 0)
    pass_b(1)
    fire_b(fnext)
    fire_out(f, 1)
    return 0

  lax.fori_loop(1, _NUM_FIELDS, field_step, 0)

  wait_idx(0)
  wait_x()
  wait_a()
  wait_b()
  wait_out()


@jax.jit
def kernel(x, tables):
  x_t = x.T.astype(jnp.int32)
  tab_t = tables.transpose(0, 2, 1)

  mesh = plsc.VectorSubcoreMesh(core_axis_name="c", subcore_axis_name="s")
  run = pl.kernel(
      _gather_body,
      mesh=mesh,
      out_type=jax.ShapeDtypeStruct(
          (_NUM_FIELDS, _EMBED_DIM, _BATCH), jnp.float32),
      scratch_types=[
          pltpu.VMEM((_SPLIT,), jnp.float32),
          pltpu.VMEM((_VB,), jnp.float32),
          pltpu.VMEM((2, _HALF), jnp.int32),
          pltpu.VMEM((_HALF,), jnp.float32),
          pltpu.VMEM_SHARED((2, _BATCH), jnp.int32),
          pltpu.SemaphoreType.DMA,
          pltpu.SemaphoreType.DMA,
          pltpu.SemaphoreType.DMA((2,)),
          pltpu.SemaphoreType.DMA,
          pltpu.SemaphoreType.DMA,
      ],
      compiler_params=pltpu.CompilerParams(
          use_tc_tiling_on_sc=True, needs_layout_passes=False),
  )
  out_t = run(x_t, tab_t)
  return out_t.transpose(2, 0, 1)

# --- scband reference (transcript-rebuilt; emitter-appended) ---
"""Pipeline reference for scband-tabular-embedding-52862457480076 (READ-ONLY COPY).

The authoritative reference and input builder live on the scoring server;
editing this copy changes nothing except your own understanding.
"""

import jax, jax.numpy as jnp
import numpy as np

NUM_FIELDS = 26
VOCAB = 100000
EMBED_DIM = 32
BATCH = 16384

def setup_inputs(seed: int = 0) -> dict:
    key = jax.random.key(seed)
    k_idx, k_tab = jax.random.split(key)
    x = jax.random.randint(k_idx, (BATCH, NUM_FIELDS), 0, VOCAB, dtype=jnp.int64 if jax.config.jax_enable_x64 else jnp.int32)
    # One embedding table per categorical field, stacked: [NUM_FIELDS, VOCAB, EMBED_DIM]
    tables = jax.random.normal(k_tab, (NUM_FIELDS, VOCAB, EMBED_DIM), dtype=jnp.float32) * 0.02
    return {"x": x, "tables": tables}

def reference(x, tables):
    # Faithful to torch: per-field embedding lookup, then stack along dim=1
    embeddings = [jnp.take(tables[i], x[:, i], axis=0) for i in range(NUM_FIELDS)]
    return jnp.stack(embeddings, axis=1)  # [B, NUM_FIELDS, EMBED_DIM]

if __name__ == "__main__":
    import jax
    _d = setup_inputs()
    print(jax.jit(kernel)(*tuple(_d.values())))

</pallas_src>

<mosaic_0001>
#map = affine_map<(d0, d1) -> (0, 0)>
#map1 = affine_map<(d0, d1) -> (0, 0, 0)>
module attributes {stable_mosaic.version = 14 : i64} {
  func.func @_gather_body(%arg0: i32, %arg1: i32, %arg2: memref<26x16384xi32, #tpu.memory_space<hbm>>, %arg3: memref<26x32x100000xf32, #tpu.memory_space<hbm>>, %arg4: memref<26x32x16384xf32, #tpu.memory_space<hbm>>, %arg5: memref<50048xf32, #tpu.memory_space<vmem>>, %arg6: memref<49952xf32, #tpu.memory_space<vmem>>, %arg7: memref<2x8192xi32, #tpu.memory_space<vmem>>, %arg8: memref<8192xf32, #tpu.memory_space<vmem>>, %arg9: memref<2x16384xi32, #tpu.memory_space<vmem_shared>>, %arg10: memref<!tpu.dma_semaphore, #tpu.memory_space<semaphore_mem>>, %arg11: memref<!tpu.dma_semaphore, #tpu.memory_space<semaphore_mem>>, %arg12: memref<2x!tpu.dma_semaphore, #tpu.memory_space<semaphore_mem>>, %arg13: memref<!tpu.dma_semaphore, #tpu.memory_space<semaphore_mem>>, %arg14: memref<!tpu.dma_semaphore, #tpu.memory_space<semaphore_mem>>) attributes {dimension_semantics = [#tpu.dimension_semantics<core_parallel>, #tpu.dimension_semantics<subcore_parallel>], iteration_bounds = array<i64: 2, 16>, scalar_prefetch = 0 : i64, scratch_operands = 10 : i64, tpu.core_type = #tpu.core_type<sc_vector_subcore>, window_params = [{transform_indices = #map}, {transform_indices = #map1}, {transform_indices = #map1}]} {
    %mul3A = arith.constant 2 : i32
    %mul3A_0 = arith.muli %arg1, %mul3A : i32
    %add3A = arith.addi %mul3A_0, %arg0 : i32
    %eq3A = arith.constant 0 : i32
    %eq3A_1 = arith.cmpi eq, %arg1, %eq3A : i32
    %iota3A = tpu.iota {dimensions = array<i32: 0>} : vector<16xi32>
    %dma_start3A = arith.constant 0 : i32
    %dma_start3A_2 = arith.constant 0 : i32
    %dma_start3A_3 = tpu.memref_slice %arg3[%dma_start3A, %add3A, %dma_start3A_2] : memref<26x32x100000xf32, #tpu.memory_space<hbm>> -> memref<1x1x50048xf32, #tpu.memory_space<hbm>>
    %dma_start3A_4 = tpu.memref_squeeze %dma_start3A_3 : memref<1x1x50048xf32, #tpu.memory_space<hbm>> -> memref<50048xf32, #tpu.memory_space<hbm>>
    %dma_start3A_5 = arith.constant 0 : i32
    %dma_start3A_6 = tpu.memref_slice %arg3[%dma_start3A, %add3A, %dma_start3A_5] : memref<26x32x100000xf32, #tpu.memory_space<hbm>> -> memref<1x1x50048xf32, #tpu.memory_space<hbm>>
    %dma_start3A_7 = tpu.memref_squeeze %dma_start3A_6 : memref<1x1x50048xf32, #tpu.memory_space<hbm>> -> memref<50048xf32, #tpu.memory_space<hbm>>
    tpu.enqueue_dma source(%dma_start3A_7 : memref<50048xf32, #tpu.memory_space<hbm>>) target(%arg5 : memref<50048xf32, #tpu.memory_space<vmem>>) target_semaphore(%arg10 : memref<!tpu.dma_semaphore, #tpu.memory_space<semaphore_mem>>)
    %dma_start3A_8 = arith.constant 0 : i32
    %dma_start3A_9 = arith.constant 50048 : i32
    %dma_start3A_10 = tpu.memref_slice %arg3[%dma_start3A_8, %add3A, %dma_start3A_9] : memref<26x32x100000xf32, #tpu.memory_space<hbm>> -> memref<1x1x49952xf32, #tpu.memory_space<hbm>>
    %dma_start3A_11 = tpu.memref_squeeze %dma_start3A_10 : memref<1x1x49952xf32, #tpu.memory_space<hbm>> -> memref<49952xf32, #tpu.memory_space<hbm>>
    %dma_start3A_12 = arith.constant 50048 : i32
    %dma_start3A_13 = tpu.memref_slice %arg3[%dma_start3A_8, %add3A, %dma_start3A_12] : memref<26x32x100000xf32, #tpu.memory_space<hbm>> -> memref<1x1x49952xf32, #tpu.memory_space<hbm>>
    %dma_start3A_14 = tpu.memref_squeeze %dma_start3A_13 : memref<1x1x49952xf32, #tpu.memory_space<hbm>> -> memref<49952xf32, #tpu.memory_space<hbm>>
    tpu.enqueue_dma source(%dma_start3A_14 : memref<49952xf32, #tpu.memory_space<hbm>>) target(%arg6 : memref<49952xf32, #tpu.memory_space<vmem>>) target_semaphore(%arg11 : memref<!tpu.dma_semaphore, #tpu.memory_space<semaphore_mem>>)
    %convert_element_type3A = arith.extui %eq3A_1 : i1 to i32
    %cond3A = arith.constant 0 : i32
    %cond3A_15 = arith.cmpi ne, %convert_element_type3A, %cond3A : i32
    scf.if %cond3A_15 {
      %dma_start3A_226 = arith.constant 0 : i32
      %dma_start3A_227 = arith.constant 0 : i32
      %dma_start3A_228 = arith.constant 0 : i32
      %dma_start3A_229 = tpu.memref_slice %arg9[%dma_start3A_227, %dma_start3A_228] : memref<2x16384xi32, #tpu.memory_space<vmem_shared>> -> memref<1x16384xi32, #tpu.memory_space<vmem_shared>>
      %dma_start3A_230 = tpu.memref_squeeze %dma_start3A_229 : memref<1x16384xi32, #tpu.memory_space<vmem_shared>> -> memref<16384xi32, #tpu.memory_space<vmem_shared>>
      %dma_start3A_231 = arith.constant 0 : i32
      %dma_start3A_232 = tpu.memref_slice %arg2[%dma_start3A_226, %dma_start3A_231] : memref<26x16384xi32, #tpu.memory_space<hbm>> -> memref<1x16384xi32, #tpu.memory_space<hbm>>
      %dma_start3A_233 = tpu.memref_squeeze %dma_start3A_232 : memref<1x16384xi32, #tpu.memory_space<hbm>> -> memref<16384xi32, #tpu.memory_space<hbm>>
      tpu.enqueue_dma source(%dma_start3A_233 : memref<16384xi32, #tpu.memory_space<hbm>>) target(%dma_start3A_230 : memref<16384xi32, #tpu.memory_space<vmem_shared>>) target_semaphore(%arg14 : memref<!tpu.dma_semaphore, #tpu.memory_space<semaphore_mem>>)
    } else {
    }
    %convert_element_type3A_16 = arith.extui %eq3A_1 : i1 to i32
    %cond3A_17 = arith.constant 0 : i32
    %cond3A_18 = arith.cmpi ne, %convert_element_type3A_16, %cond3A_17 : i32
    scf.if %cond3A_18 {
      %dma_start3A_226 = arith.constant 1 : i32
      %dma_start3A_227 = arith.constant 1 : i32
      %dma_start3A_228 = arith.constant 0 : i32
      %dma_start3A_229 = tpu.memref_slice %arg9[%dma_start3A_227, %dma_start3A_228] : memref<2x16384xi32, #tpu.memory_space<vmem_shared>> -> memref<1x16384xi32, #tpu.memory_space<vmem_shared>>
      %dma_start3A_230 = tpu.memref_squeeze %dma_start3A_229 : memref<1x16384xi32, #tpu.memory_space<vmem_shared>> -> memref<16384xi32, #tpu.memory_space<vmem_shared>>
      %dma_start3A_231 = arith.constant 0 : i32
      %dma_start3A_232 = tpu.memref_slice %arg2[%dma_start3A_226, %dma_start3A_231] : memref<26x16384xi32, #tpu.memory_space<hbm>> -> memref<1x16384xi32, #tpu.memory_space<hbm>>
      %dma_start3A_233 = tpu.memref_squeeze %dma_start3A_232 : memref<1x16384xi32, #tpu.memory_space<hbm>> -> memref<16384xi32, #tpu.memory_space<hbm>>
      tpu.enqueue_dma source(%dma_start3A_233 : memref<16384xi32, #tpu.memory_space<hbm>>) target(%dma_start3A_230 : memref<16384xi32, #tpu.memory_space<vmem_shared>>) target_semaphore(%arg14 : memref<!tpu.dma_semaphore, #tpu.memory_space<semaphore_mem>>)
    } else {
    }
    %convert_element_type3A_19 = arith.extui %eq3A_1 : i1 to i32
    %cond3A_20 = arith.constant 0 : i32
    %cond3A_21 = arith.cmpi ne, %convert_element_type3A_19, %cond3A_20 : i32
    scf.if %cond3A_21 {
      %dma_wait3A_226 = arith.constant 0 : i32
      %dma_wait3A_227 = arith.constant 0 : i32
      %dma_wait3A_228 = arith.constant 0 : i32
      %dma_wait3A_229 = tpu.memref_slice %arg9[%dma_wait3A_227, %dma_wait3A_228] : memref<2x16384xi32, #tpu.memory_space<vmem_shared>> -> memref<1x16384xi32, #tpu.memory_space<vmem_shared>>
      %dma_wait3A_230 = tpu.memref_squeeze %dma_wait3A_229 : memref<1x16384xi32, #tpu.memory_space<vmem_shared>> -> memref<16384xi32, #tpu.memory_space<vmem_shared>>
      %dma_wait3A_231 = arith.constant 0 : i32
      %dma_wait3A_232 = tpu.memref_slice %arg2[%dma_wait3A_226, %dma_wait3A_231] : memref<26x16384xi32, #tpu.memory_space<hbm>> -> memref<1x16384xi32, #tpu.memory_space<hbm>>
      %dma_wait3A_233 = tpu.memref_squeeze %dma_wait3A_232 : memref<1x16384xi32, #tpu.memory_space<hbm>> -> memref<16384xi32, #tpu.memory_space<hbm>>
      tpu.wait_dma2 semaphore(%arg14 : memref<!tpu.dma_semaphore, #tpu.memory_space<semaphore_mem>>) src(%dma_wait3A_233 : memref<16384xi32, #tpu.memory_space<hbm>>) dst(%dma_wait3A_230 : memref<16384xi32, #tpu.memory_space<vmem_shared>>)
    } else {
    }
    %barrier3A = arith.constant 0 : index
    tpu.barrier barrier_id(%barrier3A)
    %dma_start3A_22 = arith.constant 0 : i32
    %dma_start3A_23 = arith.constant 0 : i32
    %dma_start3A_24 = arith.constant 0 : i32
    %dma_start3A_25 = arith.constant 0 : i32
    %dma_start3A_26 = tpu.memref_slice %arg7[%dma_start3A_23, %dma_start3A_25] : memref<2x8192xi32, #tpu.memory_space<vmem>> -> memref<1x8192xi32, #tpu.memory_space<vmem>>
    %dma_start3A_27 = tpu.memref_squeeze %dma_start3A_26 : memref<1x8192xi32, #tpu.memory_space<vmem>> -> memref<8192xi32, #tpu.memory_space<vmem>>
    %dma_start3A_28 = arith.constant 0 : i32
    %dma_start3A_29 = tpu.memref_slice %arg9[%dma_start3A_22, %dma_start3A_28] : memref<2x16384xi32, #tpu.memory_space<vmem_shared>> -> memref<1x8192xi32, #tpu.memory_space<vmem_shared>>
    %dma_start3A_30 = tpu.memref_squeeze %dma_start3A_29 : memref<1x8192xi32, #tpu.memory_space<vmem_shared>> -> memref<8192xi32, #tpu.memory_space<vmem_shared>>
    %dma_start3A_31 = tpu.memref_slice %arg12[%dma_start3A_24] : memref<2x!tpu.dma_semaphore, #tpu.memory_space<semaphore_mem>> -> memref<1x!tpu.dma_semaphore, #tpu.memory_space<semaphore_mem>>
    %dma_start3A_32 = tpu.memref_squeeze %dma_start3A_31 : memref<1x!tpu.dma_semaphore, #tpu.memory_space<semaphore_mem>> -> memref<!tpu.dma_semaphore, #tpu.memory_space<semaphore_mem>>
    %dma_start3A_33 = arith.constant 0 : i32
    %dma_start3A_34 = tpu.memref_slice %arg7[%dma_start3A_23, %dma_start3A_33] : memref<2x8192xi32, #tpu.memory_space<vmem>> -> memref<1x8192xi32, #tpu.memory_space<vmem>>
    %dma_start3A_35 = tpu.memref_squeeze %dma_start3A_34 : memref<1x8192xi32, #tpu.memory_space<vmem>> -> memref<8192xi32, #tpu.memory_space<vmem>>
    %dma_start3A_36 = arith.constant 0 : i32
    %dma_start3A_37 = tpu.memref_slice %arg9[%dma_start3A_22, %dma_start3A_36] : memref<2x16384xi32, #tpu.memory_space<vmem_shared>> -> memref<1x8192xi32, #tpu.memory_space<vmem_shared>>
    %dma_start3A_38 = tpu.memref_squeeze %dma_start3A_37 : memref<1x8192xi32, #tpu.memory_space<vmem_shared>> -> memref<8192xi32, #tpu.memory_space<vmem_shared>>
    tpu.enqueue_dma source(%dma_start3A_38 : memref<8192xi32, #tpu.memory_space<vmem_shared>>) target(%dma_start3A_35 : memref<8192xi32, #tpu.memory_space<vmem>>) target_semaphore(%dma_start3A_32 : memref<!tpu.dma_semaphore, #tpu.memory_space<semaphore_mem>>)
    %dma_wait3A = arith.constant 0 : i32
    %dma_wait3A_39 = arith.constant 0 : i32
    %dma_wait3A_40 = arith.constant 0 : i32
    %dma_wait3A_41 = arith.constant 0 : i32
    %dma_wait3A_42 = tpu.memref_slice %arg7[%dma_wait3A_39, %dma_wait3A_41] : memref<2x8192xi32, #tpu.memory_space<vmem>> -> memref<1x8192xi32, #tpu.memory_space<vmem>>
    %dma_wait3A_43 = tpu.memref_squeeze %dma_wait3A_42 : memref<1x8192xi32, #tpu.memory_space<vmem>> -> memref<8192xi32, #tpu.memory_space<vmem>>
    %dma_wait3A_44 = arith.constant 0 : i32
    %dma_wait3A_45 = tpu.memref_slice %arg9[%dma_wait3A, %dma_wait3A_44] : memref<2x16384xi32, #tpu.memory_space<vmem_shared>> -> memref<1x8192xi32, #tpu.memory_space<vmem_shared>>
    %dma_wait3A_46 = tpu.memref_squeeze %dma_wait3A_45 : memref<1x8192xi32, #tpu.memory_space<vmem_shared>> -> memref<8192xi32, #tpu.memory_space<vmem_shared>>
    %dma_wait3A_47 = tpu.memref_slice %arg12[%dma_wait3A_40] : memref<2x!tpu.dma_semaphore, #tpu.memory_space<semaphore_mem>> -> memref<1x!tpu.dma_semaphore, #tpu.memory_space<semaphore_mem>>
    %dma_wait3A_48 = tpu.memref_squeeze %dma_wait3A_47 : memref<1x!tpu.dma_semaphore, #tpu.memory_space<semaphore_mem>> -> memref<!tpu.dma_semaphore, #tpu.memory_space<semaphore_mem>>
    %dma_wait3A_49 = arith.constant 0 : i32
    %dma_wait3A_50 = tpu.memref_slice %arg7[%dma_wait3A_39, %dma_wait3A_49] : memref<2x8192xi32, #tpu.memory_space<vmem>> -> memref<1x8192xi32, #tpu.memory_space<vmem>>
    %dma_wait3A_51 = tpu.memref_squeeze %dma_wait3A_50 : memref<1x8192xi32, #tpu.memory_space<vmem>> -> memref<8192xi32, #tpu.memory_space<vmem>>
    %dma_wait3A_52 = arith.constant 0 : i32
    %dma_wait3A_53 = tpu.memref_slice %arg9[%dma_wait3A, %dma_wait3A_52] : memref<2x16384xi32, #tpu.memory_space<vmem_shared>> -> memref<1x8192xi32, #tpu.memory_space<vmem_shared>>
    %dma_wait3A_54 = tpu.memref_squeeze %dma_wait3A_53 : memref<1x8192xi32, #tpu.memory_space<vmem_shared>> -> memref<8192xi32, #tpu.memory_space<vmem_shared>>
    tpu.wait_dma2 semaphore(%dma_wait3A_48 : memref<!tpu.dma_semaphore, #tpu.memory_space<semaphore_mem>>) src(%dma_wait3A_54 : memref<8192xi32, #tpu.memory_space<vmem_shared>>) dst(%dma_wait3A_51 : memref<8192xi32, #tpu.memory_space<vmem>>)
    %dma_start3A_55 = arith.constant 0 : i32
    %dma_start3A_56 = arith.constant 1 : i32
    %dma_start3A_57 = arith.constant 1 : i32
    %dma_start3A_58 = arith.constant 0 : i32
    %dma_start3A_59 = tpu.memref_slice %arg7[%dma_start3A_56, %dma_start3A_58] : memref<2x8192xi32, #tpu.memory_space<vmem>> -> memref<1x8192xi32, #tpu.memory_space<vmem>>
    %dma_start3A_60 = tpu.memref_squeeze %dma_start3A_59 : memref<1x8192xi32, #tpu.memory_space<vmem>> -> memref<8192xi32, #tpu.memory_space<vmem>>
    %dma_start3A_61 = arith.constant 8192 : i32
    %dma_start3A_62 = tpu.memref_slice %arg9[%dma_start3A_55, %dma_start3A_61] : memref<2x16384xi32, #tpu.memory_space<vmem_shared>> -> memref<1x8192xi32, #tpu.memory_space<vmem_shared>>
    %dma_start3A_63 = tpu.memref_squeeze %dma_start3A_62 : memref<1x8192xi32, #tpu.memory_space<vmem_shared>> -> memref<8192xi32, #tpu.memory_space<vmem_shared>>
    %dma_start3A_64 = tpu.memref_slice %arg12[%dma_start3A_57] : memref<2x!tpu.dma_semaphore, #tpu.memory_space<semaphore_mem>> -> memref<1x!tpu.dma_semaphore, #tpu.memory_space<semaphore_mem>>
    %dma_start3A_65 = tpu.memref_squeeze %dma_start3A_64 : memref<1x!tpu.dma_semaphore, #tpu.memory_space<semaphore_mem>> -> memref<!tpu.dma_semaphore, #tpu.memory_space<semaphore_mem>>
    %dma_start3A_66 = arith.constant 0 : i32
    %dma_start3A_67 = tpu.memref_slice %arg7[%dma_start3A_56, %dma_start3A_66] : memref<2x8192xi32, #tpu.memory_space<vmem>> -> memref<1x8192xi32, #tpu.memory_space<vmem>>
    %dma_start3A_68 = tpu.memref_squeeze %dma_start3A_67 : memref<1x8192xi32, #tpu.memory_space<vmem>> -> memref<8192xi32, #tpu.memory_space<vmem>>
    %dma_start3A_69 = arith.constant 8192 : i32
    %dma_start3A_70 = tpu.memref_slice %arg9[%dma_start3A_55, %dma_start3A_69] : memref<2x16384xi32, #tpu.memory_space<vmem_shared>> -> memref<1x8192xi32, #tpu.memory_space<vmem_shared>>
    %dma_start3A_71 = tpu.memref_squeeze %dma_start3A_70 : memref<1x8192xi32, #tpu.memory_space<vmem_shared>> -> memref<8192xi32, #tpu.memory_space<vmem_shared>>
    tpu.enqueue_dma source(%dma_start3A_71 : memref<8192xi32, #tpu.memory_space<vmem_shared>>) target(%dma_start3A_68 : memref<8192xi32, #tpu.memory_space<vmem>>) target_semaphore(%dma_start3A_65 : memref<!tpu.dma_semaphore, #tpu.memory_space<semaphore_mem>>)
    %dma_wait3A_72 = arith.constant 0 : i32
    %dma_wait3A_73 = arith.constant 0 : i32
    %dma_wait3A_74 = arith.constant 0 : i32
    %dma_wait3A_75 = tpu.memref_slice %arg3[%dma_wait3A_72, %dma_wait3A_73, %dma_wait3A_74] : memref<26x32x100000xf32, #tpu.memory_space<hbm>> -> memref<1x1x50048xf32, #tpu.memory_space<hbm>>
    %dma_wait3A_76 = tpu.memref_squeeze %dma_wait3A_75 : memref<1x1x50048xf32, #tpu.memory_space<hbm>> -> memref<50048xf32, #tpu.memory_space<hbm>>
    %dma_wait3A_77 = arith.constant 0 : i32
    %dma_wait3A_78 = tpu.memref_slice %arg3[%dma_wait3A_72, %dma_wait3A_73, %dma_wait3A_77] : memref<26x32x100000xf32, #tpu.memory_space<hbm>> -> memref<1x1x50048xf32, #tpu.memory_space<hbm>>
    %dma_wait3A_79 = tpu.memref_squeeze %dma_wait3A_78 : memref<1x1x50048xf32, #tpu.memory_space<hbm>> -> memref<50048xf32, #tpu.memory_space<hbm>>
    tpu.wait_dma2 semaphore(%arg10 : memref<!tpu.dma_semaphore, #tpu.memory_space<semaphore_mem>>) src(%dma_wait3A_79 : memref<50048xf32, #tpu.memory_space<hbm>>) dst(%arg5 : memref<50048xf32, #tpu.memory_space<vmem>>)
    %parallel_loop3A = arith.constant 0 : i32
    %parallel_loop3A_80 = arith.constant 512 : i32
    %parallel_loop3A_81 = arith.constant 1 : i32
    scf.for %parallel_loop3A_226 = %parallel_loop3A to %parallel_loop3A_80 step %parallel_loop3A_81  : i32 {
      %parallel_loop3A_227 = arith.constant 16 : i32
      %parallel_loop3A_228 = arith.muli %parallel_loop3A_226, %parallel_loop3A_227 : i32
      %parallel_loop3A_229 = arith.constant 0 : i32
      %parallel_loop3A_230 = arith.index_cast %parallel_loop3A_229 : i32 to index
      %parallel_loop3A_231 = arith.index_cast %parallel_loop3A_228 : i32 to index
      %parallel_loop3A_232 = tpu.vector_load %arg7[%parallel_loop3A_230, %parallel_loop3A_231] {strides = array<i32>} : memref<2x8192xi32, #tpu.memory_space<vmem>>, vector<16xi32>,
      %parallel_loop3A_233 = arith.constant 50047 : i32
      %parallel_loop3A_234 = vector.broadcast %parallel_loop3A_233 : i32 to vector<16xi32>
      %parallel_loop3A_235 = arith.minsi %parallel_loop3A_232, %parallel_loop3A_234 : vector<16xi32>
      %parallel_loop3A_236 = tpu.vector_load_idx %arg5[%parallel_loop3A_235] : memref<50048xf32, #tpu.memory_space<vmem>>[vector<16xi32>], vector<16xf32>,
      %parallel_loop3A_237 = arith.constant 16 : i32
      %parallel_loop3A_238 = arith.muli %parallel_loop3A_226, %parallel_loop3A_237 : i32
      %parallel_loop3A_239 = arith.index_cast %parallel_loop3A_238 : i32 to index
      %parallel_loop3A_240 = tpu.vector_load %arg8[%parallel_loop3A_239] {strides = array<i32>} : memref<8192xf32, #tpu.memory_space<vmem>>, vector<16xf32>,
      tpu.vector_store %arg8[%parallel_loop3A_239], %parallel_loop3A_236 {strides = array<i32>} : memref<8192xf32, #tpu.memory_space<vmem>>, vector<16xf32>,
    } {sc.loop_unroll_factor = 4 : i64, sc.parallel_access}
    %dma_wait3A_82 = arith.constant 0 : i32
    %dma_wait3A_83 = arith.constant 0 : i32
    %dma_wait3A_84 = arith.constant 50048 : i32
    %dma_wait3A_85 = tpu.memref_slice %arg3[%dma_wait3A_82, %dma_wait3A_83, %dma_wait3A_84] : memref<26x32x100000xf32, #tpu.memory_space<hbm>> -> memref<1x1x49952xf32, #tpu.memory_space<hbm>>
    %dma_wait3A_86 = tpu.memref_squeeze %dma_wait3A_85 : memref<1x1x49952xf32, #tpu.memory_space<hbm>> -> memref<49952xf32, #tpu.memory_space<hbm>>
    %dma_wait3A_87 = arith.constant 50048 : i32
    %dma_wait3A_88 = tpu.memref_slice %arg3[%dma_wait3A_82, %dma_wait3A_83, %dma_wait3A_87] : memref<26x32x100000xf32, #tpu.memory_space<hbm>> -> memref<1x1x49952xf32, #tpu.memory_space<hbm>>
    %dma_wait3A_89 = tpu.memref_squeeze %dma_wait3A_88 : memref<1x1x49952xf32, #tpu.memory_space<hbm>> -> memref<49952xf32, #tpu.memory_space<hbm>>
    tpu.wait_dma2 semaphore(%arg11 : memref<!tpu.dma_semaphore, #tpu.memory_space<semaphore_mem>>) src(%dma_wait3A_89 : memref<49952xf32, #tpu.memory_space<hbm>>) dst(%arg6 : memref<49952xf32, #tpu.memory_space<vmem>>)
    %parallel_loop3A_90 = arith.constant 0 : i32
    %parallel_loop3A_91 = arith.constant 512 : i32
    %parallel_loop3A_92 = arith.constant 1 : i32
    scf.for %parallel_loop3A_226 = %parallel_loop3A_90 to %parallel_loop3A_91 step %parallel_loop3A_92  : i32 {
      %parallel_loop3A_227 = arith.constant 16 : i32
      %parallel_loop3A_228 = arith.muli %parallel_loop3A_226, %parallel_loop3A_227 : i32
      %parallel_loop3A_229 = arith.constant 0 : i32
      %parallel_loop3A_230 = arith.index_cast %parallel_loop3A_229 : i32 to index
      %parallel_loop3A_231 = arith.index_cast %parallel_loop3A_228 : i32 to index
      %parallel_loop3A_232 = tpu.vector_load %arg7[%parallel_loop3A_230, %parallel_loop3A_231] {strides = array<i32>} : memref<2x8192xi32, #tpu.memory_space<vmem>>, vector<16xi32>,
      %parallel_loop3A_233 = arith.constant 50048 : i32
      %parallel_loop3A_234 = vector.broadcast %parallel_loop3A_233 : i32 to vector<16xi32>
      %parallel_loop3A_235 = arith.subi %parallel_loop3A_232, %parallel_loop3A_234 : vector<16xi32>
      %parallel_loop3A_236 = arith.constant 0 : i32
      %parallel_loop3A_237 = vector.broadcast %parallel_loop3A_236 : i32 to vector<16xi32>
      %parallel_loop3A_238 = arith.cmpi sge, %parallel_loop3A_235, %parallel_loop3A_237 : vector<16xi32>
      %parallel_loop3A_239 = tpu.vector_load_idx %arg6[%parallel_loop3A_235] masked %parallel_loop3A_238 : memref<49952xf32, #tpu.memory_space<vmem>>[vector<16xi32>], vector<16xf32>, vector<16xi1>
      %parallel_loop3A_240 = arith.constant 16 : i32
      %parallel_loop3A_241 = arith.muli %parallel_loop3A_226, %parallel_loop3A_240 : i32
      %parallel_loop3A_242 = vector.broadcast %parallel_loop3A_241 : i32 to vector<16xi32>
      %parallel_loop3A_243 = arith.addi %parallel_loop3A_242, %iota3A : vector<16xi32>
      tpu.vector_store_idx %arg8[%parallel_loop3A_243], %parallel_loop3A_239 masked %parallel_loop3A_238 : memref<8192xf32, #tpu.memory_space<vmem>>[vector<16xi32>], vector<16xf32>, vector<16xi1>
    } {sc.loop_unroll_factor = 4 : i64, sc.parallel_access}
    %dma_start3A_93 = arith.constant 0 : i32
    %dma_start3A_94 = arith.constant 0 : i32
    %dma_start3A_95 = tpu.memref_slice %arg4[%dma_start3A_93, %add3A, %dma_start3A_94] : memref<26x32x16384xf32, #tpu.memory_space<hbm>> -> memref<1x1x8192xf32, #tpu.memory_space<hbm>>
    %dma_start3A_96 = tpu.memref_squeeze %dma_start3A_95 : memref<1x1x8192xf32, #tpu.memory_space<hbm>> -> memref<8192xf32, #tpu.memory_space<hbm>>
    %dma_start3A_97 = arith.constant 0 : i32
    %dma_start3A_98 = tpu.memref_slice %arg4[%dma_start3A_93, %add3A, %dma_start3A_97] : memref<26x32x16384xf32, #tpu.memory_space<hbm>> -> memref<1x1x8192xf32, #tpu.memory_space<hbm>>
    %dma_start3A_99 = tpu.memref_squeeze %dma_start3A_98 : memref<1x1x8192xf32, #tpu.memory_space<hbm>> -> memref<8192xf32, #tpu.memory_space<hbm>>
    tpu.enqueue_dma source(%arg8 : memref<8192xf32, #tpu.memory_space<vmem>>) target(%dma_start3A_99 : memref<8192xf32, #tpu.memory_space<hbm>>) target_semaphore(%arg13 : memref<!tpu.dma_semaphore, #tpu.memory_space<semaphore_mem>>)
    %dma_wait3A_100 = arith.constant 0 : i32
    %dma_wait3A_101 = arith.constant 1 : i32
    %dma_wait3A_102 = arith.constant 1 : i32
    %dma_wait3A_103 = arith.constant 0 : i32
    %dma_wait3A_104 = tpu.memref_slice %arg7[%dma_wait3A_101, %dma_wait3A_103] : memref<2x8192xi32, #tpu.memory_space<vmem>> -> memref<1x8192xi32, #tpu.memory_space<vmem>>
    %dma_wait3A_105 = tpu.memref_squeeze %dma_wait3A_104 : memref<1x8192xi32, #tpu.memory_space<vmem>> -> memref<8192xi32, #tpu.memory_space<vmem>>
    %dma_wait3A_106 = arith.constant 0 : i32
    %dma_wait3A_107 = tpu.memref_slice %arg9[%dma_wait3A_100, %dma_wait3A_106] : memref<2x16384xi32, #tpu.memory_space<vmem_shared>> -> memref<1x8192xi32, #tpu.memory_space<vmem_shared>>
    %dma_wait3A_108 = tpu.memref_squeeze %dma_wait3A_107 : memref<1x8192xi32, #tpu.memory_space<vmem_shared>> -> memref<8192xi32, #tpu.memory_space<vmem_shared>>
    %dma_wait3A_109 = tpu.memref_slice %arg12[%dma_wait3A_102] : memref<2x!tpu.dma_semaphore, #tpu.memory_space<semaphore_mem>> -> memref<1x!tpu.dma_semaphore, #tpu.memory_space<semaphore_mem>>
    %dma_wait3A_110 = tpu.memref_squeeze %dma_wait3A_109 : memref<1x!tpu.dma_semaphore, #tpu.memory_space<semaphore_mem>> -> memref<!tpu.dma_semaphore, #tpu.memory_space<semaphore_mem>>
    %dma_wait3A_111 = arith.constant 0 : i32
    %dma_wait3A_112 = tpu.memref_slice %arg7[%dma_wait3A_101, %dma_wait3A_111] : memref<2x8192xi32, #tpu.memory_space<vmem>> -> memref<1x8192xi32, #tpu.memory_space<vmem>>
    %dma_wait3A_113 = tpu.memref_squeeze %dma_wait3A_112 : memref<1x8192xi32, #tpu.memory_space<vmem>> -> memref<8192xi32, #tpu.memory_space<vmem>>
    %dma_wait3A_114 = arith.constant 0 : i32
    %dma_wait3A_115 = tpu.memref_slice %arg9[%dma_wait3A_100, %dma_wait3A_114] : memref<2x16384xi32, #tpu.memory_space<vmem_shared>> -> memref<1x8192xi32, #tpu.memory_space<vmem_shared>>
    %dma_wait3A_116 = tpu.memref_squeeze %dma_wait3A_115 : memref<1x8192xi32, #tpu.memory_space<vmem_shared>> -> memref<8192xi32, #tpu.memory_space<vmem_shared>>
    tpu.wait_dma2 semaphore(%dma_wait3A_110 : memref<!tpu.dma_semaphore, #tpu.memory_space<semaphore_mem>>) src(%dma_wait3A_116 : memref<8192xi32, #tpu.memory_space<vmem_shared>>) dst(%dma_wait3A_113 : memref<8192xi32, #tpu.memory_space<vmem>>)
    %dma_wait3A_117 = arith.constant 0 : i32
    %dma_wait3A_118 = arith.constant 0 : i32
    %dma_wait3A_119 = arith.constant 0 : i32
    %dma_wait3A_120 = tpu.memref_slice %arg4[%dma_wait3A_117, %dma_wait3A_118, %dma_wait3A_119] : memref<26x32x16384xf32, #tpu.memory_space<hbm>> -> memref<1x1x8192xf32, #tpu.memory_space<hbm>>
    %dma_wait3A_121 = tpu.memref_squeeze %dma_wait3A_120 : memref<1x1x8192xf32, #tpu.memory_space<hbm>> -> memref<8192xf32, #tpu.memory_space<hbm>>
    %dma_wait3A_122 = arith.constant 0 : i32
    %dma_wait3A_123 = tpu.memref_slice %arg4[%dma_wait3A_117, %dma_wait3A_118, %dma_wait3A_122] : memref<26x32x16384xf32, #tpu.memory_space<hbm>> -> memref<1x1x8192xf32, #tpu.memory_space<hbm>>
    %dma_wait3A_124 = tpu.memref_squeeze %dma_wait3A_123 : memref<1x1x8192xf32, #tpu.memory_space<hbm>> -> memref<8192xf32, #tpu.memory_space<hbm>>
    tpu.wait_dma2 semaphore(%arg13 : memref<!tpu.dma_semaphore, #tpu.memory_space<semaphore_mem>>) src(%arg8 : memref<8192xf32, #tpu.memory_space<vmem>>) dst(%dma_wait3A_124 : memref<8192xf32, #tpu.memory_space<hbm>>)
    %parallel_loop3A_125 = arith.constant 0 : i32
    %parallel_loop3A_126 = arith.constant 512 : i32
    %parallel_loop3A_127 = arith.constant 1 : i32
    scf.for %parallel_loop3A_226 = %parallel_loop3A_125 to %parallel_loop3A_126 step %parallel_loop3A_127  : i32 {
      %parallel_loop3A_227 = arith.constant 16 : i32
      %parallel_loop3A_228 = arith.muli %parallel_loop3A_226, %parallel_loop3A_227 : i32
      %parallel_loop3A_229 = arith.constant 1 : i32
      %parallel_loop3A_230 = arith.index_cast %parallel_loop3A_229 : i32 to index
      %parallel_loop3A_231 = arith.index_cast %parallel_loop3A_228 : i32 to index
      %parallel_loop3A_232 = tpu.vector_load %arg7[%parallel_loop3A_230, %parallel_loop3A_231] {strides = array<i32>} : memref<2x8192xi32, #tpu.memory_space<vmem>>, vector<16xi32>,
      %parallel_loop3A_233 = arith.constant 50047 : i32
      %parallel_loop3A_234 = vector.broadcast %parallel_loop3A_233 : i32 to vector<16xi32>
      %parallel_loop3A_235 = arith.minsi %parallel_loop3A_232, %parallel_loop3A_234 : vector<16xi32>
      %parallel_loop3A_236 = tpu.vector_load_idx %arg5[%parallel_loop3A_235] : memref<50048xf32, #tpu.memory_space<vmem>>[vector<16xi32>], vector<16xf32>,
      %parallel_loop3A_237 = arith.constant 16 : i32
      %parallel_loop3A_238 = arith.muli %parallel_loop3A_226, %parallel_loop3A_237 : i32
      %parallel_loop3A_239 = arith.index_cast %parallel_loop3A_238 : i32 to index
      %parallel_loop3A_240 = tpu.vector_load %arg8[%parallel_loop3A_239] {strides = array<i32>} : memref<8192xf32, #tpu.memory_space<vmem>>, vector<16xf32>,
      tpu.vector_store %arg8[%parallel_loop3A_239], %parallel_loop3A_236 {strides = array<i32>} : memref<8192xf32, #tpu.memory_space<vmem>>, vector<16xf32>,
    } {sc.loop_unroll_factor = 4 : i64, sc.parallel_access}
    %dma_start3A_128 = arith.constant 1 : i32
    %dma_start3A_129 = arith.constant 0 : i32
    %dma_start3A_130 = tpu.memref_slice %arg3[%dma_start3A_128, %add3A, %dma_start3A_129] : memref<26x32x100000xf32, #tpu.memory_space<hbm>> -> memref<1x1x50048xf32, #tpu.memory_space<hbm>>
    %dma_start3A_131 = tpu.memref_squeeze %dma_start3A_130 : memref<1x1x50048xf32, #tpu.memory_space<hbm>> -> memref<50048xf32, #tpu.memory_space<hbm>>
    %dma_start3A_132 = arith.constant 0 : i32
    %dma_start3A_133 = tpu.memref_slice %arg3[%dma_start3A_128, %add3A, %dma_start3A_132] : memref<26x32x100000xf32, #tpu.memory_space<hbm>> -> memref<1x1x50048xf32, #tpu.memory_space<hbm>>
    %dma_start3A_134 = tpu.memref_squeeze %dma_start3A_133 : memref<1x1x50048xf32, #tpu.memory_space<hbm>> -> memref<50048xf32, #tpu.memory_space<hbm>>
    tpu.enqueue_dma source(%dma_start3A_134 : memref<50048xf32, #tpu.memory_space<hbm>>) target(%arg5 : memref<50048xf32, #tpu.memory_space<vmem>>) target_semaphore(%arg10 : memref<!tpu.dma_semaphore, #tpu.memory_space<semaphore_mem>>)
    %convert_element_type3A_135 = arith.extui %eq3A_1 : i1 to i32
    %cond3A_136 = arith.constant 0 : i32
    %cond3A_137 = arith.cmpi ne, %convert_element_type3A_135, %cond3A_136 : i32
    scf.if %cond3A_137 {
      %dma_wait3A_226 = arith.constant 0 : i32
      %dma_wait3A_227 = arith.constant 0 : i32
      %dma_wait3A_228 = arith.constant 0 : i32
      %dma_wait3A_229 = tpu.memref_slice %arg9[%dma_wait3A_227, %dma_wait3A_228] : memref<2x16384xi32, #tpu.memory_space<vmem_shared>> -> memref<1x16384xi32, #tpu.memory_space<vmem_shared>>
      %dma_wait3A_230 = tpu.memref_squeeze %dma_wait3A_229 : memref<1x16384xi32, #tpu.memory_space<vmem_shared>> -> memref<16384xi32, #tpu.memory_space<vmem_shared>>
      %dma_wait3A_231 = arith.constant 0 : i32
      %dma_wait3A_232 = tpu.memref_slice %arg2[%dma_wait3A_226, %dma_wait3A_231] : memref<26x16384xi32, #tpu.memory_space<hbm>> -> memref<1x16384xi32, #tpu.memory_space<hbm>>
      %dma_wait3A_233 = tpu.memref_squeeze %dma_wait3A_232 : memref<1x16384xi32, #tpu.memory_space<hbm>> -> memref<16384xi32, #tpu.memory_space<hbm>>
      tpu.wait_dma2 semaphore(%arg14 : memref<!tpu.dma_semaphore, #tpu.memory_space<semaphore_mem>>) src(%dma_wait3A_233 : memref<16384xi32, #tpu.memory_space<hbm>>) dst(%dma_wait3A_230 : memref<16384xi32, #tpu.memory_space<vmem_shared>>)
    } else {
    }
    %barrier3A_138 = arith.constant 0 : index
    tpu.barrier barrier_id(%barrier3A_138)
    %convert_element_type3A_139 = arith.extui %eq3A_1 : i1 to i32
    %cond3A_140 = arith.constant 0 : i32
    %cond3A_141 = arith.cmpi ne, %convert_element_type3A_139, %cond3A_140 : i32
    scf.if %cond3A_141 {
      %dma_start3A_226 = arith.constant 2 : i32
      %dma_start3A_227 = arith.constant 0 : i32
      %dma_start3A_228 = arith.constant 0 : i32
      %dma_start3A_229 = tpu.memref_slice %arg9[%dma_start3A_227, %dma_start3A_228] : memref<2x16384xi32, #tpu.memory_space<vmem_shared>> -> memref<1x16384xi32, #tpu.memory_space<vmem_shared>>
      %dma_start3A_230 = tpu.memref_squeeze %dma_start3A_229 : memref<1x16384xi32, #tpu.memory_space<vmem_shared>> -> memref<16384xi32, #tpu.memory_space<vmem_shared>>
      %dma_start3A_231 = arith.constant 0 : i32
      %dma_start3A_232 = tpu.memref_slice %arg2[%dma_start3A_226, %dma_start3A_231] : memref<26x16384xi32, #tpu.memory_space<hbm>> -> memref<1x16384xi32, #tpu.memory_space<hbm>>
      %dma_start3A_233 = tpu.memref_squeeze %dma_start3A_232 : memref<1x16384xi32, #tpu.memory_space<hbm>> -> memref<16384xi32, #tpu.memory_space<hbm>>
      tpu.enqueue_dma source(%dma_start3A_233 : memref<16384xi32, #tpu.memory_space<hbm>>) target(%dma_start3A_230 : memref<16384xi32, #tpu.memory_space<vmem_shared>>) target_semaphore(%arg14 : memref<!tpu.dma_semaphore, #tpu.memory_space<semaphore_mem>>)
    } else {
    }
    %dma_start3A_142 = arith.constant 1 : i32
    %dma_start3A_143 = arith.constant 0 : i32
    %dma_start3A_144 = arith.constant 0 : i32
    %dma_start3A_145 = arith.constant 0 : i32
    %dma_start3A_146 = tpu.memref_slice %arg7[%dma_start3A_143, %dma_start3A_145] : memref<2x8192xi32, #tpu.memory_space<vmem>> -> memref<1x8192xi32, #tpu.memory_space<vmem>>
    %dma_start3A_147 = tpu.memref_squeeze %dma_start3A_146 : memref<1x8192xi32, #tpu.memory_space<vmem>> -> memref<8192xi32, #tpu.memory_space<vmem>>
    %dma_start3A_148 = arith.constant 0 : i32
    %dma_start3A_149 = tpu.memref_slice %arg9[%dma_start3A_142, %dma_start3A_148] : memref<2x16384xi32, #tpu.memory_space<vmem_shared>> -> memref<1x8192xi32, #tpu.memory_space<vmem_shared>>
    %dma_start3A_150 = tpu.memref_squeeze %dma_start3A_149 : memref<1x8192xi32, #tpu.memory_space<vmem_shared>> -> memref<8192xi32, #tpu.memory_space<vmem_shared>>
    %dma_start3A_151 = tpu.memref_slice %arg12[%dma_start3A_144] : memref<2x!tpu.dma_semaphore, #tpu.memory_space<semaphore_mem>> -> memref<1x!tpu.dma_semaphore, #tpu.memory_space<semaphore_mem>>
    %dma_start3A_152 = tpu.memref_squeeze %dma_start3A_151 : memref<1x!tpu.dma_semaphore, #tpu.memory_space<semaphore_mem>> -> memref<!tpu.dma_semaphore, #tpu.memory_space<semaphore_mem>>
    %dma_start3A_153 = arith.constant 0 : i32
    %dma_start3A_154 = tpu.memref_slice %arg7[%dma_start3A_143, %dma_start3A_153] : memref<2x8192xi32, #tpu.memory_space<vmem>> -> memref<1x8192xi32, #tpu.memory_space<vmem>>
    %dma_start3A_155 = tpu.memref_squeeze %dma_start3A_154 : memref<1x8192xi32, #tpu.memory_space<vmem>> -> memref<8192xi32, #tpu.memory_space<vmem>>
    %dma_start3A_156 = arith.constant 0 : i32
    %dma_start3A_157 = tpu.memref_slice %arg9[%dma_start3A_142, %dma_start3A_156] : memref<2x16384xi32, #tpu.memory_space<vmem_shared>> -> memref<1x8192xi32, #tpu.memory_space<vmem_shared>>
    %dma_start3A_158 = tpu.memref_squeeze %dma_start3A_157 : memref<1x8192xi32, #tpu.memory_space<vmem_shared>> -> memref<8192xi32, #tpu.memory_space<vmem_shared>>
    tpu.enqueue_dma source(%dma_start3A_158 : memref<8192xi32, #tpu.memory_space<vmem_shared>>) target(%dma_start3A_155 : memref<8192xi32, #tpu.memory_space<vmem>>) target_semaphore(%dma_start3A_152 : memref<!tpu.dma_semaphore, #tpu.memory_space<semaphore_mem>>)
    %parallel_loop3A_159 = arith.constant 0 : i32
    %parallel_loop3A_160 = arith.constant 512 : i32
    %parallel_loop3A_161 = arith.constant 1 : i32
    scf.for %parallel_loop3A_226 = %parallel_loop3A_159 to %parallel_loop3A_160 step %parallel_loop3A_161  : i32 {
      %parallel_loop3A_227 = arith.constant 16 : i32
      %parallel_loop3A_228 = arith.muli %parallel_loop3A_226, %parallel_loop3A_227 : i32
      %parallel_loop3A_229 = arith.constant 1 : i32
      %parallel_loop3A_230 = arith.index_cast %parallel_loop3A_229 : i32 to index
      %parallel_loop3A_231 = arith.index_cast %parallel_loop3A_228 : i32 to index
      %parallel_loop3A_232 = tpu.vector_load %arg7[%parallel_loop3A_230, %parallel_loop3A_231] {strides = array<i32>} : memref<2x8192xi32, #tpu.memory_space<vmem>>, vector<16xi32>,
      %parallel_loop3A_233 = arith.constant 50048 : i32
      %parallel_loop3A_234 = vector.broadcast %parallel_loop3A_233 : i32 to vector<16xi32>
      %parallel_loop3A_235 = arith.subi %parallel_loop3A_232, %parallel_loop3A_234 : vector<16xi32>
      %parallel_loop3A_236 = arith.constant 0 : i32
      %parallel_loop3A_237 = vector.broadcast %parallel_loop3A_236 : i32 to vector<16xi32>
      %parallel_loop3A_238 = arith.cmpi sge, %parallel_loop3A_235, %parallel_loop3A_237 : vector<16xi32>
      %parallel_loop3A_239 = tpu.vector_load_idx %arg6[%parallel_loop3A_235] masked %parallel_loop3A_238 : memref<49952xf32, #tpu.memory_space<vmem>>[vector<16xi32>], vector<16xf32>, vector<16xi1>
      %parallel_loop3A_240 = arith.constant 16 : i32
      %parallel_loop3A_241 = arith.muli %parallel_loop3A_226, %parallel_loop3A_240 : i32
      %parallel_loop3A_242 = vector.broadcast %parallel_loop3A_241 : i32 to vector<16xi32>
      %parallel_loop3A_243 = arith.addi %parallel_loop3A_242, %iota3A : vector<16xi32>
      tpu.vector_store_idx %arg8[%parallel_loop3A_243], %parallel_loop3A_239 masked %parallel_loop3A_238 : memref<8192xf32, #tpu.memory_space<vmem>>[vector<16xi32>], vector<16xf32>, vector<16xi1>
    } {sc.loop_unroll_factor = 4 : i64, sc.parallel_access}
    %dma_start3A_162 = arith.constant 1 : i32
    %dma_start3A_163 = arith.constant 50048 : i32
    %dma_start3A_164 = tpu.memref_slice %arg3[%dma_start3A_162, %add3A, %dma_start3A_163] : memref<26x32x100000xf32, #tpu.memory_space<hbm>> -> memref<1x1x49952xf32, #tpu.memory_space<hbm>>
    %dma_start3A_165 = tpu.memref_squeeze %dma_start3A_164 : memref<1x1x49952xf32, #tpu.memory_space<hbm>> -> memref<49952xf32, #tpu.memory_space<hbm>>
    %dma_start3A_166 = arith.constant 50048 : i32
    %dma_start3A_167 = tpu.memref_slice %arg3[%dma_start3A_162, %add3A, %dma_start3A_166] : memref<26x32x100000xf32, #tpu.memory_space<hbm>> -> memref<1x1x49952xf32, #tpu.memory_space<hbm>>
    %dma_start3A_168 = tpu.memref_squeeze %dma_start3A_167 : memref<1x1x49952xf32, #tpu.memory_space<hbm>> -> memref<49952xf32, #tpu.memory_space<hbm>>
    tpu.enqueue_dma source(%dma_start3A_168 : memref<49952xf32, #tpu.memory_space<hbm>>) target(%arg6 : memref<49952xf32, #tpu.memory_space<vmem>>) target_semaphore(%arg11 : memref<!tpu.dma_semaphore, #tpu.memory_space<semaphore_mem>>)
    %dma_start3A_169 = arith.constant 0 : i32
    %dma_start3A_170 = arith.constant 8192 : i32
    %dma_start3A_171 = tpu.memref_slice %arg4[%dma_start3A_169, %add3A, %dma_start3A_170] : memref<26x32x16384xf32, #tpu.memory_space<hbm>> -> memref<1x1x8192xf32, #tpu.memory_space<hbm>>
    %dma_start3A_172 = tpu.memref_squeeze %dma_start3A_171 : memref<1x1x8192xf32, #tpu.memory_space<hbm>> -> memref<8192xf32, #tpu.memory_space<hbm>>
    %dma_start3A_173 = arith.constant 8192 : i32
    %dma_start3A_174 = tpu.memref_slice %arg4[%dma_start3A_169, %add3A, %dma_start3A_173] : memref<26x32x16384xf32, #tpu.memory_space<hbm>> -> memref<1x1x8192xf32, #tpu.memory_space<hbm>>
    %dma_start3A_175 = tpu.memref_squeeze %dma_start3A_174 : memref<1x1x8192xf32, #tpu.memory_space<hbm>> -> memref<8192xf32, #tpu.memory_space<hbm>>
    tpu.enqueue_dma source(%arg8 : memref<8192xf32, #tpu.memory_space<vmem>>) target(%dma_start3A_175 : memref<8192xf32, #tpu.memory_space<hbm>>) target_semaphore(%arg13 : memref<!tpu.dma_semaphore, #tpu.memory_space<semaphore_mem>>)
    %scan3A = arith.constant 0 : i32
    %scan3A_176 = arith.constant 1 : i32
    %scan3A_177 = arith.constant 25 : i32
    %scan3A_178 = arith.addi %scan3A_176, %scan3A_177 : i32
    %scan3A_179 = arith.constant 1 : i32
    %scan3A_180 = scf.for %scan3A_226 = %scan3A_176 to %scan3A_178 step %scan3A_179 iter_args(%scan3A_227 = %scan3A) -> (i32)  : i32 {
      %add3A_228 = arith.constant 1 : i32
      %add3A_229 = arith.addi %scan3A_226, %add3A_228 : i32
      %min3A = arith.constant 25 : i32
      %min3A_230 = arith.minsi %add3A_229, %min3A : i32
      %dma_wait3A_231 = arith.constant 0 : i32
      %dma_wait3A_232 = arith.constant 0 : i32
      %dma_wait3A_233 = arith.constant 0 : i32
      %dma_wait3A_234 = arith.constant 0 : i32
      %dma_wait3A_235 = tpu.memref_slice %arg7[%dma_wait3A_232, %dma_wait3A_234] : memref<2x8192xi32, #tpu.memory_space<vmem>> -> memref<1x8192xi32, #tpu.memory_space<vmem>>
      %dma_wait3A_236 = tpu.memref_squeeze %dma_wait3A_235 : memref<1x8192xi32, #tpu.memory_space<vmem>> -> memref<8192xi32, #tpu.memory_space<vmem>>
      %dma_wait3A_237 = arith.constant 0 : i32
      %dma_wait3A_238 = tpu.memref_slice %arg9[%dma_wait3A_231, %dma_wait3A_237] : memref<2x16384xi32, #tpu.memory_space<vmem_shared>> -> memref<1x8192xi32, #tpu.memory_space<vmem_shared>>
      %dma_wait3A_239 = tpu.memref_squeeze %dma_wait3A_238 : memref<1x8192xi32, #tpu.memory_space<vmem_shared>> -> memref<8192xi32, #tpu.memory_space<vmem_shared>>
      %dma_wait3A_240 = tpu.memref_slice %arg12[%dma_wait3A_233] : memref<2x!tpu.dma_semaphore, #tpu.memory_space<semaphore_mem>> -> memref<1x!tpu.dma_semaphore, #tpu.memory_space<semaphore_mem>>
      %dma_wait3A_241 = tpu.memref_squeeze %dma_wait3A_240 : memref<1x!tpu.dma_semaphore, #tpu.memory_space<semaphore_mem>> -> memref<!tpu.dma_semaphore, #tpu.memory_space<semaphore_mem>>
      %dma_wait3A_242 = arith.constant 0 : i32
      %dma_wait3A_243 = tpu.memref_slice %arg7[%dma_wait3A_232, %dma_wait3A_242] : memref<2x8192xi32, #tpu.memory_space<vmem>> -> memref<1x8192xi32, #tpu.memory_space<vmem>>
      %dma_wait3A_244 = tpu.memref_squeeze %dma_wait3A_243 : memref<1x8192xi32, #tpu.memory_space<vmem>> -> memref<8192xi32, #tpu.memory_space<vmem>>
      %dma_wait3A_245 = arith.constant 0 : i32
      %dma_wait3A_246 = tpu.memref_slice %arg9[%dma_wait3A_231, %dma_wait3A_245] : memref<2x16384xi32, #tpu.memory_space<vmem_shared>> -> memref<1x8192xi32, #tpu.memory_space<vmem_shared>>
      %dma_wait3A_247 = tpu.memref_squeeze %dma_wait3A_246 : memref<1x8192xi32, #tpu.memory_space<vmem_shared>> -> memref<8192xi32, #tpu.memory_space<vmem_shared>>
      tpu.wait_dma2 semaphore(%dma_wait3A_241 : memref<!tpu.dma_semaphore, #tpu.memory_space<semaphore_mem>>) src(%dma_wait3A_247 : memref<8192xi32, #tpu.memory_space<vmem_shared>>) dst(%dma_wait3A_244 : memref<8192xi32, #tpu.memory_space<vmem>>)
      %jit3A = arith.constant 2 : i32
      %eq3A_248 = arith.constant 0 : i32
      %eq3A_249 = arith.cmpi eq, %jit3A, %eq3A_248 : i32
      %jit3A_250 = arith.constant 1 : i32
      %select_n3A = arith.select %eq3A_249, %jit3A_250, %jit3A : i32
      %rem3A = arith.remsi %scan3A_226, %select_n3A : i32
      %ne3A = arith.constant 0 : i32
      %ne3A_251 = arith.cmpi ne, %rem3A, %ne3A : i32
      %lt3A = arith.constant 0 : i32
      %lt3A_252 = arith.cmpi slt, %rem3A, %lt3A : i32
      %lt3A_253 = arith.constant 0 : i32
      %lt3A_254 = arith.cmpi slt, %select_n3A, %lt3A_253 : i32
      %ne3A_255 = arith.xori %lt3A_252, %lt3A_254 : i1
      %and3A = arith.andi %ne3A_255, %ne3A_251 : i1
      %add3A_256 = arith.addi %rem3A, %select_n3A : i32
      %select_n3A_257 = arith.select %and3A, %add3A_256, %rem3A : i32
      %dma_start3A_258 = arith.constant 1 : i32
      %dma_start3A_259 = arith.constant 1 : i32
      %dma_start3A_260 = arith.constant 0 : i32
      %dma_start3A_261 = tpu.memref_slice %arg7[%dma_start3A_258, %dma_start3A_260] : memref<2x8192xi32, #tpu.memory_space<vmem>> -> memref<1x8192xi32, #tpu.memory_space<vmem>>
      %dma_start3A_262 = tpu.memref_squeeze %dma_start3A_261 : memref<1x8192xi32, #tpu.memory_space<vmem>> -> memref<8192xi32, #tpu.memory_space<vmem>>
      %dma_start3A_263 = arith.constant 8192 : i32
      %dma_start3A_264 = tpu.memref_slice %arg9[%select_n3A_257, %dma_start3A_263] : memref<2x16384xi32, #tpu.memory_space<vmem_shared>> -> memref<1x8192xi32, #tpu.memory_space<vmem_shared>>
      %dma_start3A_265 = tpu.memref_squeeze %dma_start3A_264 : memref<1x8192xi32, #tpu.memory_space<vmem_shared>> -> memref<8192xi32, #tpu.memory_space<vmem_shared>>
      %dma_start3A_266 = tpu.memref_slice %arg12[%dma_start3A_259] : memref<2x!tpu.dma_semaphore, #tpu.memory_space<semaphore_mem>> -> memref<1x!tpu.dma_semaphore, #tpu.memory_space<semaphore_mem>>
      %dma_start3A_267 = tpu.memref_squeeze %dma_start3A_266 : memref<1x!tpu.dma_semaphore, #tpu.memory_space<semaphore_mem>> -> memref<!tpu.dma_semaphore, #tpu.memory_space<semaphore_mem>>
      %dma_start3A_268 = arith.constant 0 : i32
      %dma_start3A_269 = tpu.memref_slice %arg7[%dma_start3A_258, %dma_start3A_268] : memref<2x8192xi32, #tpu.memory_space<vmem>> -> memref<1x8192xi32, #tpu.memory_space<vmem>>
      %dma_start3A_270 = tpu.memref_squeeze %dma_start3A_269 : memref<1x8192xi32, #tpu.memory_space<vmem>> -> memref<8192xi32, #tpu.memory_space<vmem>>
      %dma_start3A_271 = arith.constant 8192 : i32
      %dma_start3A_272 = tpu.memref_slice %arg9[%select_n3A_257, %dma_start3A_271] : memref<2x16384xi32, #tpu.memory_space<vmem_shared>> -> memref<1x8192xi32, #tpu.memory_space<vmem_shared>>
      %dma_start3A_273 = tpu.memref_squeeze %dma_start3A_272 : memref<1x8192xi32, #tpu.memory_space<vmem_shared>> -> memref<8192xi32, #tpu.memory_space<vmem_shared>>
      tpu.enqueue_dma source(%dma_start3A_273 : memref<8192xi32, #tpu.memory_space<vmem_shared>>) target(%dma_start3A_270 : memref<8192xi32, #tpu.memory_space<vmem>>) target_semaphore(%dma_start3A_267 : memref<!tpu.dma_semaphore, #tpu.memory_space<semaphore_mem>>)
      %dma_wait3A_274 = arith.constant 0 : i32
      %dma_wait3A_275 = arith.constant 0 : i32
      %dma_wait3A_276 = arith.constant 0 : i32
      %dma_wait3A_277 = tpu.memref_slice %arg3[%dma_wait3A_274, %dma_wait3A_275, %dma_wait3A_276] : memref<26x32x100000xf32, #tpu.memory_space<hbm>> -> memref<1x1x50048xf32, #tpu.memory_space<hbm>>
      %dma_wait3A_278 = tpu.memref_squeeze %dma_wait3A_277 : memref<1x1x50048xf32, #tpu.memory_space<hbm>> -> memref<50048xf32, #tpu.memory_space<hbm>>
      %dma_wait3A_279 = arith.constant 0 : i32
      %dma_wait3A_280 = tpu.memref_slice %arg3[%dma_wait3A_274, %dma_wait3A_275, %dma_wait3A_279] : memref<26x32x100000xf32, #tpu.memory_space<hbm>> -> memref<1x1x50048xf32, #tpu.memory_space<hbm>>
      %dma_wait3A_281 = tpu.memref_squeeze %dma_wait3A_280 : memref<1x1x50048xf32, #tpu.memory_space<hbm>> -> memref<50048xf32, #tpu.memory_space<hbm>>
      tpu.wait_dma2 semaphore(%arg10 : memref<!tpu.dma_semaphore, #tpu.memory_space<semaphore_mem>>) src(%dma_wait3A_281 : memref<50048xf32, #tpu.memory_space<hbm>>) dst(%arg5 : memref<50048xf32, #tpu.memory_space<vmem>>)
      %dma_wait3A_282 = arith.constant 0 : i32
      %dma_wait3A_283 = arith.constant 0 : i32
      %dma_wait3A_284 = arith.constant 0 : i32
      %dma_wait3A_285 = tpu.memref_slice %arg4[%dma_wait3A_282, %dma_wait3A_283, %dma_wait3A_284] : memref<26x32x16384xf32, #tpu.memory_space<hbm>> -> memref<1x1x8192xf32, #tpu.memory_space<hbm>>
      %dma_wait3A_286 = tpu.memref_squeeze %dma_wait3A_285 : memref<1x1x8192xf32, #tpu.memory_space<hbm>> -> memref<8192xf32, #tpu.memory_space<hbm>>
      %dma_wait3A_287 = arith.constant 0 : i32
      %dma_wait3A_288 = tpu.memref_slice %arg4[%dma_wait3A_282, %dma_wait3A_283, %dma_wait3A_287] : memref<26x32x16384xf32, #tpu.memory_space<hbm>> -> memref<1x1x8192xf32, #tpu.memory_space<hbm>>
      %dma_wait3A_289 = tpu.memref_squeeze %dma_wait3A_288 : memref<1x1x8192xf32, #tpu.memory_space<hbm>> -> memref<8192xf32, #tpu.memory_space<hbm>>
      tpu.wait_dma2 semaphore(%arg13 : memref<!tpu.dma_semaphore, #tpu.memory_space<semaphore_mem>>) src(%arg8 : memref<8192xf32, #tpu.memory_space<vmem>>) dst(%dma_wait3A_289 : memref<8192xf32, #tpu.memory_space<hbm>>)
      %parallel_loop3A_290 = arith.constant 0 : i32
      %parallel_loop3A_291 = arith.constant 512 : i32
      %parallel_loop3A_292 = arith.constant 1 : i32
      scf.for %parallel_loop3A_419 = %parallel_loop3A_290 to %parallel_loop3A_291 step %parallel_loop3A_292  : i32 {
        %parallel_loop3A_420 = arith.constant 16 : i32
        %parallel_loop3A_421 = arith.muli %parallel_loop3A_419, %parallel_loop3A_420 : i32
        %parallel_loop3A_422 = arith.constant 0 : i32
        %parallel_loop3A_423 = arith.index_cast %parallel_loop3A_422 : i32 to index
        %parallel_loop3A_424 = arith.index_cast %parallel_loop3A_421 : i32 to index
        %parallel_loop3A_425 = tpu.vector_load %arg7[%parallel_loop3A_423, %parallel_loop3A_424] {strides = array<i32>} : memref<2x8192xi32, #tpu.memory_space<vmem>>, vector<16xi32>,
        %parallel_loop3A_426 = arith.constant 50047 : i32
        %parallel_loop3A_427 = vector.broadcast %parallel_loop3A_426 : i32 to vector<16xi32>
        %parallel_loop3A_428 = arith.minsi %parallel_loop3A_425, %parallel_loop3A_427 : vector<16xi32>
        %parallel_loop3A_429 = tpu.vector_load_idx %arg5[%parallel_loop3A_428] : memref<50048xf32, #tpu.memory_space<vmem>>[vector<16xi32>], vector<16xf32>,
        %parallel_loop3A_430 = arith.constant 16 : i32
        %parallel_loop3A_431 = arith.muli %parallel_loop3A_419, %parallel_loop3A_430 : i32
        %parallel_loop3A_432 = arith.index_cast %parallel_loop3A_431 : i32 to index
        %parallel_loop3A_433 = tpu.vector_load %arg8[%parallel_loop3A_432] {strides = array<i32>} : memref<8192xf32, #tpu.memory_space<vmem>>, vector<16xf32>,
        tpu.vector_store %arg8[%parallel_loop3A_432], %parallel_loop3A_429 {strides = array<i32>} : memref<8192xf32, #tpu.memory_space<vmem>>, vector<16xf32>,
      } {sc.loop_unroll_factor = 4 : i64, sc.parallel_access}
      %dma_wait3A_293 = arith.constant 0 : i32
      %dma_wait3A_294 = arith.constant 0 : i32
      %dma_wait3A_295 = arith.constant 50048 : i32
      %dma_wait3A_296 = tpu.memref_slice %arg3[%dma_wait3A_293, %dma_wait3A_294, %dma_wait3A_295] : memref<26x32x100000xf32, #tpu.memory_space<hbm>> -> memref<1x1x49952xf32, #tpu.memory_space<hbm>>
      %dma_wait3A_297 = tpu.memref_squeeze %dma_wait3A_296 : memref<1x1x49952xf32, #tpu.memory_space<hbm>> -> memref<49952xf32, #tpu.memory_space<hbm>>
      %dma_wait3A_298 = arith.constant 50048 : i32
      %dma_wait3A_299 = tpu.memref_slice %arg3[%dma_wait3A_293, %dma_wait3A_294, %dma_wait3A_298] : memref<26x32x100000xf32, #tpu.memory_space<hbm>> -> memref<1x1x49952xf32, #tpu.memory_space<hbm>>
      %dma_wait3A_300 = tpu.memref_squeeze %dma_wait3A_299 : memref<1x1x49952xf32, #tpu.memory_space<hbm>> -> memref<49952xf32, #tpu.memory_space<hbm>>
      tpu.wait_dma2 semaphore(%arg11 : memref<!tpu.dma_semaphore, #tpu.memory_space<semaphore_mem>>) src(%dma_wait3A_300 : memref<49952xf32, #tpu.memory_space<hbm>>) dst(%arg6 : memref<49952xf32, #tpu.memory_space<vmem>>)
      %parallel_loop3A_301 = arith.constant 0 : i32
      %parallel_loop3A_302 = arith.constant 512 : i32
      %parallel_loop3A_303 = arith.constant 1 : i32
      scf.for %parallel_loop3A_419 = %parallel_loop3A_301 to %parallel_loop3A_302 step %parallel_loop3A_303  : i32 {
        %parallel_loop3A_420 = arith.constant 16 : i32
        %parallel_loop3A_421 = arith.muli %parallel_loop3A_419, %parallel_loop3A_420 : i32
        %parallel_loop3A_422 = arith.constant 0 : i32
        %parallel_loop3A_423 = arith.index_cast %parallel_loop3A_422 : i32 to index
        %parallel_loop3A_424 = arith.index_cast %parallel_loop3A_421 : i32 to index
        %parallel_loop3A_425 = tpu.vector_load %arg7[%parallel_loop3A_423, %parallel_loop3A_424] {strides = array<i32>} : memref<2x8192xi32, #tpu.memory_space<vmem>>, vector<16xi32>,
        %parallel_loop3A_426 = arith.constant 50048 : i32
        %parallel_loop3A_427 = vector.broadcast %parallel_loop3A_426 : i32 to vector<16xi32>
        %parallel_loop3A_428 = arith.subi %parallel_loop3A_425, %parallel_loop3A_427 : vector<16xi32>
        %parallel_loop3A_429 = arith.constant 0 : i32
        %parallel_loop3A_430 = vector.broadcast %parallel_loop3A_429 : i32 to vector<16xi32>
        %parallel_loop3A_431 = arith.cmpi sge, %parallel_loop3A_428, %parallel_loop3A_430 : vector<16xi32>
        %parallel_loop3A_432 = tpu.vector_load_idx %arg6[%parallel_loop3A_428] masked %parallel_loop3A_431 : memref<49952xf32, #tpu.memory_space<vmem>>[vector<16xi32>], vector<16xf32>, vector<16xi1>
        %parallel_loop3A_433 = arith.constant 16 : i32
        %parallel_loop3A_434 = arith.muli %parallel_loop3A_419, %parallel_loop3A_433 : i32
        %parallel_loop3A_435 = vector.broadcast %parallel_loop3A_434 : i32 to vector<16xi32>
        %parallel_loop3A_436 = arith.addi %parallel_loop3A_435, %iota3A : vector<16xi32>
        tpu.vector_store_idx %arg8[%parallel_loop3A_436], %parallel_loop3A_432 masked %parallel_loop3A_431 : memref<8192xf32, #tpu.memory_space<vmem>>[vector<16xi32>], vector<16xf32>, vector<16xi1>
      } {sc.loop_unroll_factor = 4 : i64, sc.parallel_access}
      %dma_start3A_304 = arith.constant 0 : i32
      %dma_start3A_305 = tpu.memref_slice %arg4[%scan3A_226, %add3A, %dma_start3A_304] : memref<26x32x16384xf32, #tpu.memory_space<hbm>> -> memref<1x1x8192xf32, #tpu.memory_space<hbm>>
      %dma_start3A_306 = tpu.memref_squeeze %dma_start3A_305 : memref<1x1x8192xf32, #tpu.memory_space<hbm>> -> memref<8192xf32, #tpu.memory_space<hbm>>
      %dma_start3A_307 = arith.constant 0 : i32
      %dma_start3A_308 = tpu.memref_slice %arg4[%scan3A_226, %add3A, %dma_start3A_307] : memref<26x32x16384xf32, #tpu.memory_space<hbm>> -> memref<1x1x8192xf32, #tpu.memory_space<hbm>>
      %dma_start3A_309 = tpu.memref_squeeze %dma_start3A_308 : memref<1x1x8192xf32, #tpu.memory_space<hbm>> -> memref<8192xf32, #tpu.memory_space<hbm>>
      tpu.enqueue_dma source(%arg8 : memref<8192xf32, #tpu.memory_space<vmem>>) target(%dma_start3A_309 : memref<8192xf32, #tpu.memory_space<hbm>>) target_semaphore(%arg13 : memref<!tpu.dma_semaphore, #tpu.memory_space<semaphore_mem>>)
      %dma_wait3A_310 = arith.constant 0 : i32
      %dma_wait3A_311 = arith.constant 1 : i32
      %dma_wait3A_312 = arith.constant 1 : i32
      %dma_wait3A_313 = arith.constant 0 : i32
      %dma_wait3A_314 = tpu.memref_slice %arg7[%dma_wait3A_311, %dma_wait3A_313] : memref<2x8192xi32, #tpu.memory_space<vmem>> -> memref<1x8192xi32, #tpu.memory_space<vmem>>
      %dma_wait3A_315 = tpu.memref_squeeze %dma_wait3A_314 : memref<1x8192xi32, #tpu.memory_space<vmem>> -> memref<8192xi32, #tpu.memory_space<vmem>>
      %dma_wait3A_316 = arith.constant 0 : i32
      %dma_wait3A_317 = tpu.memref_slice %arg9[%dma_wait3A_310, %dma_wait3A_316] : memref<2x16384xi32, #tpu.memory_space<vmem_shared>> -> memref<1x8192xi32, #tpu.memory_space<vmem_shared>>
      %dma_wait3A_318 = tpu.memref_squeeze %dma_wait3A_317 : memref<1x8192xi32, #tpu.memory_space<vmem_shared>> -> memref<8192xi32, #tpu.memory_space<vmem_shared>>
      %dma_wait3A_319 = tpu.memref_slice %arg12[%dma_wait3A_312] : memref<2x!tpu.dma_semaphore, #tpu.memory_space<semaphore_mem>> -> memref<1x!tpu.dma_semaphore, #tpu.memory_space<semaphore_mem>>
      %dma_wait3A_320 = tpu.memref_squeeze %dma_wait3A_319 : memref<1x!tpu.dma_semaphore, #tpu.memory_space<semaphore_mem>> -> memref<!tpu.dma_semaphore, #tpu.memory_space<semaphore_mem>>
      %dma_wait3A_321 = arith.constant 0 : i32
      %dma_wait3A_322 = tpu.memref_slice %arg7[%dma_wait3A_311, %dma_wait3A_321] : memref<2x8192xi32, #tpu.memory_space<vmem>> -> memref<1x8192xi32, #tpu.memory_space<vmem>>
      %dma_wait3A_323 = tpu.memref_squeeze %dma_wait3A_322 : memref<1x8192xi32, #tpu.memory_space<vmem>> -> memref<8192xi32, #tpu.memory_space<vmem>>
      %dma_wait3A_324 = arith.constant 0 : i32
      %dma_wait3A_325 = tpu.memref_slice %arg9[%dma_wait3A_310, %dma_wait3A_324] : memref<2x16384xi32, #tpu.memory_space<vmem_shared>> -> memref<1x8192xi32, #tpu.memory_space<vmem_shared>>
      %dma_wait3A_326 = tpu.memref_squeeze %dma_wait3A_325 : memref<1x8192xi32, #tpu.memory_space<vmem_shared>> -> memref<8192xi32, #tpu.memory_space<vmem_shared>>
      tpu.wait_dma2 semaphore(%dma_wait3A_320 : memref<!tpu.dma_semaphore, #tpu.memory_space<semaphore_mem>>) src(%dma_wait3A_326 : memref<8192xi32, #tpu.memory_space<vmem_shared>>) dst(%dma_wait3A_323 : memref<8192xi32, #tpu.memory_space<vmem>>)
      %dma_wait3A_327 = arith.constant 0 : i32
      %dma_wait3A_328 = arith.constant 0 : i32
      %dma_wait3A_329 = arith.constant 0 : i32
      %dma_wait3A_330 = tpu.memref_slice %arg4[%dma_wait3A_327, %dma_wait3A_328, %dma_wait3A_329] : memref<26x32x16384xf32, #tpu.memory_space<hbm>> -> memref<1x1x8192xf32, #tpu.memory_space<hbm>>
      %dma_wait3A_331 = tpu.memref_squeeze %dma_wait3A_330 : memref<1x1x8192xf32, #tpu.memory_space<hbm>> -> memref<8192xf32, #tpu.memory_space<hbm>>
      %dma_wait3A_332 = arith.constant 0 : i32
      %dma_wait3A_333 = tpu.memref_slice %arg4[%dma_wait3A_327, %dma_wait3A_328, %dma_wait3A_332] : memref<26x32x16384xf32, #tpu.memory_space<hbm>> -> memref<1x1x8192xf32, #tpu.memory_space<hbm>>
      %dma_wait3A_334 = tpu.memref_squeeze %dma_wait3A_333 : memref<1x1x8192xf32, #tpu.memory_space<hbm>> -> memref<8192xf32, #tpu.memory_space<hbm>>
      tpu.wait_dma2 semaphore(%arg13 : memref<!tpu.dma_semaphore, #tpu.memory_space<semaphore_mem>>) src(%arg8 : memref<8192xf32, #tpu.memory_space<vmem>>) dst(%dma_wait3A_334 : memref<8192xf32, #tpu.memory_space<hbm>>)
      %parallel_loop3A_335 = arith.constant 0 : i32
      %parallel_loop3A_336 = arith.constant 512 : i32
      %parallel_loop3A_337 = arith.constant 1 : i32
      scf.for %parallel_loop3A_419 = %parallel_loop3A_335 to %parallel_loop3A_336 step %parallel_loop3A_337  : i32 {
        %parallel_loop3A_420 = arith.constant 16 : i32
        %parallel_loop3A_421 = arith.muli %parallel_loop3A_419, %parallel_loop3A_420 : i32
        %parallel_loop3A_422 = arith.constant 1 : i32
        %parallel_loop3A_423 = arith.index_cast %parallel_loop3A_422 : i32 to index
        %parallel_loop3A_424 = arith.index_cast %parallel_loop3A_421 : i32 to index
        %parallel_loop3A_425 = tpu.vector_load %arg7[%parallel_loop3A_423, %parallel_loop3A_424] {strides = array<i32>} : memref<2x8192xi32, #tpu.memory_space<vmem>>, vector<16xi32>,
        %parallel_loop3A_426 = arith.constant 50047 : i32
        %parallel_loop3A_427 = vector.broadcast %parallel_loop3A_426 : i32 to vector<16xi32>
        %parallel_loop3A_428 = arith.minsi %parallel_loop3A_425, %parallel_loop3A_427 : vector<16xi32>
        %parallel_loop3A_429 = tpu.vector_load_idx %arg5[%parallel_loop3A_428] : memref<50048xf32, #tpu.memory_space<vmem>>[vector<16xi32>], vector<16xf32>,
        %parallel_loop3A_430 = arith.constant 16 : i32
        %parallel_loop3A_431 = arith.muli %parallel_loop3A_419, %parallel_loop3A_430 : i32
        %parallel_loop3A_432 = arith.index_cast %parallel_loop3A_431 : i32 to index
        %parallel_loop3A_433 = tpu.vector_load %arg8[%parallel_loop3A_432] {strides = array<i32>} : memref<8192xf32, #tpu.memory_space<vmem>>, vector<16xf32>,
        tpu.vector_store %arg8[%parallel_loop3A_432], %parallel_loop3A_429 {strides = array<i32>} : memref<8192xf32, #tpu.memory_space<vmem>>, vector<16xf32>,
      } {sc.loop_unroll_factor = 4 : i64, sc.parallel_access}
      %dma_start3A_338 = arith.constant 0 : i32
      %dma_start3A_339 = tpu.memref_slice %arg3[%min3A_230, %add3A, %dma_start3A_338] : memref<26x32x100000xf32, #tpu.memory_space<hbm>> -> memref<1x1x50048xf32, #tpu.memory_space<hbm>>
      %dma_start3A_340 = tpu.memref_squeeze %dma_start3A_339 : memref<1x1x50048xf32, #tpu.memory_space<hbm>> -> memref<50048xf32, #tpu.memory_space<hbm>>
      %dma_start3A_341 = arith.constant 0 : i32
      %dma_start3A_342 = tpu.memref_slice %arg3[%min3A_230, %add3A, %dma_start3A_341] : memref<26x32x100000xf32, #tpu.memory_space<hbm>> -> memref<1x1x50048xf32, #tpu.memory_space<hbm>>
      %dma_start3A_343 = tpu.memref_squeeze %dma_start3A_342 : memref<1x1x50048xf32, #tpu.memory_space<hbm>> -> memref<50048xf32, #tpu.memory_space<hbm>>
      tpu.enqueue_dma source(%dma_start3A_343 : memref<50048xf32, #tpu.memory_space<hbm>>) target(%arg5 : memref<50048xf32, #tpu.memory_space<vmem>>) target_semaphore(%arg10 : memref<!tpu.dma_semaphore, #tpu.memory_space<semaphore_mem>>)
      %convert_element_type3A_344 = arith.extui %eq3A_1 : i1 to i32
      %cond3A_345 = arith.constant 0 : i32
      %cond3A_346 = arith.cmpi ne, %convert_element_type3A_344, %cond3A_345 : i32
      scf.if %cond3A_346 {
        %dma_wait3A_419 = arith.constant 0 : i32
        %dma_wait3A_420 = arith.constant 0 : i32
        %dma_wait3A_421 = arith.constant 0 : i32
        %dma_wait3A_422 = tpu.memref_slice %arg9[%dma_wait3A_420, %dma_wait3A_421] : memref<2x16384xi32, #tpu.memory_space<vmem_shared>> -> memref<1x16384xi32, #tpu.memory_space<vmem_shared>>
        %dma_wait3A_423 = tpu.memref_squeeze %dma_wait3A_422 : memref<1x16384xi32, #tpu.memory_space<vmem_shared>> -> memref<16384xi32, #tpu.memory_space<vmem_shared>>
        %dma_wait3A_424 = arith.constant 0 : i32
        %dma_wait3A_425 = tpu.memref_slice %arg2[%dma_wait3A_419, %dma_wait3A_424] : memref<26x16384xi32, #tpu.memory_space<hbm>> -> memref<1x16384xi32, #tpu.memory_space<hbm>>
        %dma_wait3A_426 = tpu.memref_squeeze %dma_wait3A_425 : memref<1x16384xi32, #tpu.memory_space<hbm>> -> memref<16384xi32, #tpu.memory_space<hbm>>
        tpu.wait_dma2 semaphore(%arg14 : memref<!tpu.dma_semaphore, #tpu.memory_space<semaphore_mem>>) src(%dma_wait3A_426 : memref<16384xi32, #tpu.memory_space<hbm>>) dst(%dma_wait3A_423 : memref<16384xi32, #tpu.memory_space<vmem_shared>>)
      } else {
      }
      %barrier3A_347 = arith.constant 0 : index
      tpu.barrier barrier_id(%barrier3A_347)
      %add3A_348 = arith.constant 2 : i32
      %add3A_349 = arith.addi %scan3A_226, %add3A_348 : i32
      %min3A_350 = arith.constant 25 : i32
      %min3A_351 = arith.minsi %add3A_349, %min3A_350 : i32
      %jit3A_352 = arith.constant 2 : i32
      %eq3A_353 = arith.constant 0 : i32
      %eq3A_354 = arith.cmpi eq, %jit3A_352, %eq3A_353 : i32
      %jit3A_355 = arith.constant 1 : i32
      %select_n3A_356 = arith.select %eq3A_354, %jit3A_355, %jit3A_352 : i32
      %rem3A_357 = arith.remsi %scan3A_226, %select_n3A_356 : i32
      %ne3A_358 = arith.constant 0 : i32
      %ne3A_359 = arith.cmpi ne, %rem3A_357, %ne3A_358 : i32
      %lt3A_360 = arith.constant 0 : i32
      %lt3A_361 = arith.cmpi slt, %rem3A_357, %lt3A_360 : i32
      %lt3A_362 = arith.constant 0 : i32
      %lt3A_363 = arith.cmpi slt, %select_n3A_356, %lt3A_362 : i32
      %ne3A_364 = arith.xori %lt3A_361, %lt3A_363 : i1
      %and3A_365 = arith.andi %ne3A_364, %ne3A_359 : i1
      %add3A_366 = arith.addi %rem3A_357, %select_n3A_356 : i32
      %select_n3A_367 = arith.select %and3A_365, %add3A_366, %rem3A_357 : i32
      %convert_element_type3A_368 = arith.extui %eq3A_1 : i1 to i32
      %cond3A_369 = arith.constant 0 : i32
      %cond3A_370 = arith.cmpi ne, %convert_element_type3A_368, %cond3A_369 : i32
      scf.if %cond3A_370 {
        %dma_start3A_419 = arith.constant 0 : i32
        %dma_start3A_420 = tpu.memref_slice %arg9[%select_n3A_367, %dma_start3A_419] : memref<2x16384xi32, #tpu.memory_space<vmem_shared>> -> memref<1x16384xi32, #tpu.memory_space<vmem_shared>>
        %dma_start3A_421 = tpu.memref_squeeze %dma_start3A_420 : memref<1x16384xi32, #tpu.memory_space<vmem_shared>> -> memref<16384xi32, #tpu.memory_space<vmem_shared>>
        %dma_start3A_422 = arith.constant 0 : i32
        %dma_start3A_423 = tpu.memref_slice %arg2[%min3A_351, %dma_start3A_422] : memref<26x16384xi32, #tpu.memory_space<hbm>> -> memref<1x16384xi32, #tpu.memory_space<hbm>>
        %dma_start3A_424 = tpu.memref_squeeze %dma_start3A_423 : memref<1x16384xi32, #tpu.memory_space<hbm>> -> memref<16384xi32, #tpu.memory_space<hbm>>
        tpu.enqueue_dma source(%dma_start3A_424 : memref<16384xi32, #tpu.memory_space<hbm>>) target(%dma_start3A_421 : memref<16384xi32, #tpu.memory_space<vmem_shared>>) target_semaphore(%arg14 : memref<!tpu.dma_semaphore, #tpu.memory_space<semaphore_mem>>)
      } else {
      }
      %jit3A_371 = arith.constant 2 : i32
      %eq3A_372 = arith.constant 0 : i32
      %eq3A_373 = arith.cmpi eq, %jit3A_371, %eq3A_372 : i32
      %jit3A_374 = arith.constant 1 : i32
      %select_n3A_375 = arith.select %eq3A_373, %jit3A_374, %jit3A_371 : i32
      %rem3A_376 = arith.remsi %min3A_230, %select_n3A_375 : i32
      %ne3A_377 = arith.constant 0 : i32
      %ne3A_378 = arith.cmpi ne, %rem3A_376, %ne3A_377 : i32
      %lt3A_379 = arith.constant 0 : i32
      %lt3A_380 = arith.cmpi slt, %rem3A_376, %lt3A_379 : i32
      %lt3A_381 = arith.constant 0 : i32
      %lt3A_382 = arith.cmpi slt, %select_n3A_375, %lt3A_381 : i32
      %ne3A_383 = arith.xori %lt3A_380, %lt3A_382 : i1
      %and3A_384 = arith.andi %ne3A_383, %ne3A_378 : i1
      %add3A_385 = arith.addi %rem3A_376, %select_n3A_375 : i32
      %select_n3A_386 = arith.select %and3A_384, %add3A_385, %rem3A_376 : i32
      %dma_start3A_387 = arith.constant 0 : i32
      %dma_start3A_388 = arith.constant 0 : i32
      %dma_start3A_389 = arith.constant 0 : i32
      %dma_start3A_390 = tpu.memref_slice %arg7[%dma_start3A_387, %dma_start3A_389] : memref<2x8192xi32, #tpu.memory_space<vmem>> -> memref<1x8192xi32, #tpu.memory_space<vmem>>
      %dma_start3A_391 = tpu.memref_squeeze %dma_start3A_390 : memref<1x8192xi32, #tpu.memory_space<vmem>> -> memref<8192xi32, #tpu.memory_space<vmem>>
      %dma_start3A_392 = arith.constant 0 : i32
      %dma_start3A_393 = tpu.memref_slice %arg9[%select_n3A_386, %dma_start3A_392] : memref<2x16384xi32, #tpu.memory_space<vmem_shared>> -> memref<1x8192xi32, #tpu.memory_space<vmem_shared>>
      %dma_start3A_394 = tpu.memref_squeeze %dma_start3A_393 : memref<1x8192xi32, #tpu.memory_space<vmem_shared>> -> memref<8192xi32, #tpu.memory_space<vmem_shared>>
      %dma_start3A_395 = tpu.memref_slice %arg12[%dma_start3A_388] : memref<2x!tpu.dma_semaphore, #tpu.memory_space<semaphore_mem>> -> memref<1x!tpu.dma_semaphore, #tpu.memory_space<semaphore_mem>>
      %dma_start3A_396 = tpu.memref_squeeze %dma_start3A_395 : memref<1x!tpu.dma_semaphore, #tpu.memory_space<semaphore_mem>> -> memref<!tpu.dma_semaphore, #tpu.memory_space<semaphore_mem>>
      %dma_start3A_397 = arith.constant 0 : i32
      %dma_start3A_398 = tpu.memref_slice %arg7[%dma_start3A_387, %dma_start3A_397] : memref<2x8192xi32, #tpu.memory_space<vmem>> -> memref<1x8192xi32, #tpu.memory_space<vmem>>
      %dma_start3A_399 = tpu.memref_squeeze %dma_start3A_398 : memref<1x8192xi32, #tpu.memory_space<vmem>> -> memref<8192xi32, #tpu.memory_space<vmem>>
      %dma_start3A_400 = arith.constant 0 : i32
      %dma_start3A_401 = tpu.memref_slice %arg9[%select_n3A_386, %dma_start3A_400] : memref<2x16384xi32, #tpu.memory_space<vmem_shared>> -> memref<1x8192xi32, #tpu.memory_space<vmem_shared>>
      %dma_start3A_402 = tpu.memref_squeeze %dma_start3A_401 : memref<1x8192xi32, #tpu.memory_space<vmem_shared>> -> memref<8192xi32, #tpu.memory_space<vmem_shared>>
      tpu.enqueue_dma source(%dma_start3A_402 : memref<8192xi32, #tpu.memory_space<vmem_shared>>) target(%dma_start3A_399 : memref<8192xi32, #tpu.memory_space<vmem>>) target_semaphore(%dma_start3A_396 : memref<!tpu.dma_semaphore, #tpu.memory_space<semaphore_mem>>)
      %parallel_loop3A_403 = arith.constant 0 : i32
      %parallel_loop3A_404 = arith.constant 512 : i32
      %parallel_loop3A_405 = arith.constant 1 : i32
      scf.for %parallel_loop3A_419 = %parallel_loop3A_403 to %parallel_loop3A_404 step %parallel_loop3A_405  : i32 {
        %parallel_loop3A_420 = arith.constant 16 : i32
        %parallel_loop3A_421 = arith.muli %parallel_loop3A_419, %parallel_loop3A_420 : i32
        %parallel_loop3A_422 = arith.constant 1 : i32
        %parallel_loop3A_423 = arith.index_cast %parallel_loop3A_422 : i32 to index
        %parallel_loop3A_424 = arith.index_cast %parallel_loop3A_421 : i32 to index
        %parallel_loop3A_425 = tpu.vector_load %arg7[%parallel_loop3A_423, %parallel_loop3A_424] {strides = array<i32>} : memref<2x8192xi32, #tpu.memory_space<vmem>>, vector<16xi32>,
        %parallel_loop3A_426 = arith.constant 50048 : i32
        %parallel_loop3A_427 = vector.broadcast %parallel_loop3A_426 : i32 to vector<16xi32>
        %parallel_loop3A_428 = arith.subi %parallel_loop3A_425, %parallel_loop3A_427 : vector<16xi32>
        %parallel_loop3A_429 = arith.constant 0 : i32
        %parallel_loop3A_430 = vector.broadcast %parallel_loop3A_429 : i32 to vector<16xi32>
        %parallel_loop3A_431 = arith.cmpi sge, %parallel_loop3A_428, %parallel_loop3A_430 : vector<16xi32>
        %parallel_loop3A_432 = tpu.vector_load_idx %arg6[%parallel_loop3A_428] masked %parallel_loop3A_431 : memref<49952xf32, #tpu.memory_space<vmem>>[vector<16xi32>], vector<16xf32>, vector<16xi1>
        %parallel_loop3A_433 = arith.constant 16 : i32
        %parallel_loop3A_434 = arith.muli %parallel_loop3A_419, %parallel_loop3A_433 : i32
        %parallel_loop3A_435 = vector.broadcast %parallel_loop3A_434 : i32 to vector<16xi32>
        %parallel_loop3A_436 = arith.addi %parallel_loop3A_435, %iota3A : vector<16xi32>
        tpu.vector_store_idx %arg8[%parallel_loop3A_436], %parallel_loop3A_432 masked %parallel_loop3A_431 : memref<8192xf32, #tpu.memory_space<vmem>>[vector<16xi32>], vector<16xf32>, vector<16xi1>
      } {sc.loop_unroll_factor = 4 : i64, sc.parallel_access}
      %dma_start3A_406 = arith.constant 50048 : i32
      %dma_start3A_407 = tpu.memref_slice %arg3[%min3A_230, %add3A, %dma_start3A_406] : memref<26x32x100000xf32, #tpu.memory_space<hbm>> -> memref<1x1x49952xf32, #tpu.memory_space<hbm>>
      %dma_start3A_408 = tpu.memref_squeeze %dma_start3A_407 : memref<1x1x49952xf32, #tpu.memory_space<hbm>> -> memref<49952xf32, #tpu.memory_space<hbm>>
      %dma_start3A_409 = arith.constant 50048 : i32
      %dma_start3A_410 = tpu.memref_slice %arg3[%min3A_230, %add3A, %dma_start3A_409] : memref<26x32x100000xf32, #tpu.memory_space<hbm>> -> memref<1x1x49952xf32, #tpu.memory_space<hbm>>
      %dma_start3A_411 = tpu.memref_squeeze %dma_start3A_410 : memref<1x1x49952xf32, #tpu.memory_space<hbm>> -> memref<49952xf32, #tpu.memory_space<hbm>>
      tpu.enqueue_dma source(%dma_start3A_411 : memref<49952xf32, #tpu.memory_space<hbm>>) target(%arg6 : memref<49952xf32, #tpu.memory_space<vmem>>) target_semaphore(%arg11 : memref<!tpu.dma_semaphore, #tpu.memory_space<semaphore_mem>>)
      %dma_start3A_412 = arith.constant 8192 : i32
      %dma_start3A_413 = tpu.memref_slice %arg4[%scan3A_226, %add3A, %dma_start3A_412] : memref<26x32x16384xf32, #tpu.memory_space<hbm>> -> memref<1x1x8192xf32, #tpu.memory_space<hbm>>
      %dma_start3A_414 = tpu.memref_squeeze %dma_start3A_413 : memref<1x1x8192xf32, #tpu.memory_space<hbm>> -> memref<8192xf32, #tpu.memory_space<hbm>>
      %dma_start3A_415 = arith.constant 8192 : i32
      %dma_start3A_416 = tpu.memref_slice %arg4[%scan3A_226, %add3A, %dma_start3A_415] : memref<26x32x16384xf32, #tpu.memory_space<hbm>> -> memref<1x1x8192xf32, #tpu.memory_space<hbm>>
      %dma_start3A_417 = tpu.memref_squeeze %dma_start3A_416 : memref<1x1x8192xf32, #tpu.memory_space<hbm>> -> memref<8192xf32, #tpu.memory_space<hbm>>
      tpu.enqueue_dma source(%arg8 : memref<8192xf32, #tpu.memory_space<vmem>>) target(%dma_start3A_417 : memref<8192xf32, #tpu.memory_space<hbm>>) target_semaphore(%arg13 : memref<!tpu.dma_semaphore, #tpu.memory_space<semaphore_mem>>)
      %scan3A_418 = arith.constant 0 : i32
      scf.yield %scan3A_418 : i32
    }
    %scan3A_181 = arith.constant 25 : i32
    %dma_wait3A_182 = arith.constant 0 : i32
    %dma_wait3A_183 = arith.constant 0 : i32
    %dma_wait3A_184 = arith.constant 0 : i32
    %dma_wait3A_185 = arith.constant 0 : i32
    %dma_wait3A_186 = tpu.memref_slice %arg7[%dma_wait3A_183, %dma_wait3A_185] : memref<2x8192xi32, #tpu.memory_space<vmem>> -> memref<1x8192xi32, #tpu.memory_space<vmem>>
    %dma_wait3A_187 = tpu.memref_squeeze %dma_wait3A_186 : memref<1x8192xi32, #tpu.memory_space<vmem>> -> memref<8192xi32, #tpu.memory_space<vmem>>
    %dma_wait3A_188 = arith.constant 0 : i32
    %dma_wait3A_189 = tpu.memref_slice %arg9[%dma_wait3A_182, %dma_wait3A_188] : memref<2x16384xi32, #tpu.memory_space<vmem_shared>> -> memref<1x8192xi32, #tpu.memory_space<vmem_shared>>
    %dma_wait3A_190 = tpu.memref_squeeze %dma_wait3A_189 : memref<1x8192xi32, #tpu.memory_space<vmem_shared>> -> memref<8192xi32, #tpu.memory_space<vmem_shared>>
    %dma_wait3A_191 = tpu.memref_slice %arg12[%dma_wait3A_184] : memref<2x!tpu.dma_semaphore, #tpu.memory_space<semaphore_mem>> -> memref<1x!tpu.dma_semaphore, #tpu.memory_space<semaphore_mem>>
    %dma_wait3A_192 = tpu.memref_squeeze %dma_wait3A_191 : memref<1x!tpu.dma_semaphore, #tpu.memory_space<semaphore_mem>> -> memref<!tpu.dma_semaphore, #tpu.memory_space<semaphore_mem>>
    %dma_wait3A_193 = arith.constant 0 : i32
    %dma_wait3A_194 = tpu.memref_slice %arg7[%dma_wait3A_183, %dma_wait3A_193] : memref<2x8192xi32, #tpu.memory_space<vmem>> -> memref<1x8192xi32, #tpu.memory_space<vmem>>
    %dma_wait3A_195 = tpu.memref_squeeze %dma_wait3A_194 : memref<1x8192xi32, #tpu.memory_space<vmem>> -> memref<8192xi32, #tpu.memory_space<vmem>>
    %dma_wait3A_196 = arith.constant 0 : i32
    %dma_wait3A_197 = tpu.memref_slice %arg9[%dma_wait3A_182, %dma_wait3A_196] : memref<2x16384xi32, #tpu.memory_space<vmem_shared>> -> memref<1x8192xi32, #tpu.memory_space<vmem_shared>>
    %dma_wait3A_198 = tpu.memref_squeeze %dma_wait3A_197 : memref<1x8192xi32, #tpu.memory_space<vmem_shared>> -> memref<8192xi32, #tpu.memory_space<vmem_shared>>
    tpu.wait_dma2 semaphore(%dma_wait3A_192 : memref<!tpu.dma_semaphore, #tpu.memory_space<semaphore_mem>>) src(%dma_wait3A_198 : memref<8192xi32, #tpu.memory_space<vmem_shared>>) dst(%dma_wait3A_195 : memref<8192xi32, #tpu.memory_space<vmem>>)
    %convert_element_type3A_199 = arith.extui %eq3A_1 : i1 to i32
    %cond3A_200 = arith.constant 0 : i32
    %cond3A_201 = arith.cmpi ne, %convert_element_type3A_199, %cond3A_200 : i32
    scf.if %cond3A_201 {
      %dma_wait3A_226 = arith.constant 0 : i32
      %dma_wait3A_227 = arith.constant 0 : i32
      %dma_wait3A_228 = arith.constant 0 : i32
      %dma_wait3A_229 = tpu.memref_slice %arg9[%dma_wait3A_227, %dma_wait3A_228] : memref<2x16384xi32, #tpu.memory_space<vmem_shared>> -> memref<1x16384xi32, #tpu.memory_space<vmem_shared>>
      %dma_wait3A_230 = tpu.memref_squeeze %dma_wait3A_229 : memref<1x16384xi32, #tpu.memory_space<vmem_shared>> -> memref<16384xi32, #tpu.memory_space<vmem_shared>>
      %dma_wait3A_231 = arith.constant 0 : i32
      %dma_wait3A_232 = tpu.memref_slice %arg2[%dma_wait3A_226, %dma_wait3A_231] : memref<26x16384xi32, #tpu.memory_space<hbm>> -> memref<1x16384xi32, #tpu.memory_space<hbm>>
      %dma_wait3A_233 = tpu.memref_squeeze %dma_wait3A_232 : memref<1x16384xi32, #tpu.memory_space<hbm>> -> memref<16384xi32, #tpu.memory_space<hbm>>
      tpu.wait_dma2 semaphore(%arg14 : memref<!tpu.dma_semaphore, #tpu.memory_space<semaphore_mem>>) src(%dma_wait3A_233 : memref<16384xi32, #tpu.memory_space<hbm>>) dst(%dma_wait3A_230 : memref<16384xi32, #tpu.memory_space<vmem_shared>>)
    } else {
    }
    %dma_wait3A_202 = arith.constant 0 : i32
    %dma_wait3A_203 = arith.constant 0 : i32
    %dma_wait3A_204 = arith.constant 0 : i32
    %dma_wait3A_205 = tpu.memref_slice %arg3[%dma_wait3A_202, %dma_wait3A_203, %dma_wait3A_204] : memref<26x32x100000xf32, #tpu.memory_space<hbm>> -> memref<1x1x50048xf32, #tpu.memory_space<hbm>>
    %dma_wait3A_206 = tpu.memref_squeeze %dma_wait3A_205 : memref<1x1x50048xf32, #tpu.memory_space<hbm>> -> memref<50048xf32, #tpu.memory_space<hbm>>
    %dma_wait3A_207 = arith.constant 0 : i32
    %dma_wait3A_208 = tpu.memref_slice %arg3[%dma_wait3A_202, %dma_wait3A_203, %dma_wait3A_207] : memref<26x32x100000xf32, #tpu.memory_space<hbm>> -> memref<1x1x50048xf32, #tpu.memory_space<hbm>>
    %dma_wait3A_209 = tpu.memref_squeeze %dma_wait3A_208 : memref<1x1x50048xf32, #tpu.memory_space<hbm>> -> memref<50048xf32, #tpu.memory_space<hbm>>
    tpu.wait_dma2 semaphore(%arg10 : memref<!tpu.dma_semaphore, #tpu.memory_space<semaphore_mem>>) src(%dma_wait3A_209 : memref<50048xf32, #tpu.memory_space<hbm>>) dst(%arg5 : memref<50048xf32, #tpu.memory_space<vmem>>)
    %dma_wait3A_210 = arith.constant 0 : i32
    %dma_wait3A_211 = arith.constant 0 : i32
    %dma_wait3A_212 = arith.constant 50048 : i32
    %dma_wait3A_213 = tpu.memref_slice %arg3[%dma_wait3A_210, %dma_wait3A_211, %dma_wait3A_212] : memref<26x32x100000xf32, #tpu.memory_space<hbm>> -> memref<1x1x49952xf32, #tpu.memory_space<hbm>>
    %dma_wait3A_214 = tpu.memref_squeeze %dma_wait3A_213 : memref<1x1x49952xf32, #tpu.memory_space<hbm>> -> memref<49952xf32, #tpu.memory_space<hbm>>
    %dma_wait3A_215 = arith.constant 50048 : i32
    %dma_wait3A_216 = tpu.memref_slice %arg3[%dma_wait3A_210, %dma_wait3A_211, %dma_wait3A_215] : memref<26x32x100000xf32, #tpu.memory_space<hbm>> -> memref<1x1x49952xf32, #tpu.memory_space<hbm>>
    %dma_wait3A_217 = tpu.memref_squeeze %dma_wait3A_216 : memref<1x1x49952xf32, #tpu.memory_space<hbm>> -> memref<49952xf32, #tpu.memory_space<hbm>>
    tpu.wait_dma2 semaphore(%arg11 : memref<!tpu.dma_semaphore, #tpu.memory_space<semaphore_mem>>) src(%dma_wait3A_217 : memref<49952xf32, #tpu.memory_space<hbm>>) dst(%arg6 : memref<49952xf32, #tpu.memory_space<vmem>>)
    %dma_wait3A_218 = arith.constant 0 : i32
    %dma_wait3A_219 = arith.constant 0 : i32
    %dma_wait3A_220 = arith.constant 0 : i32
    %dma_wait3A_221 = tpu.memref_slice %arg4[%dma_wait3A_218, %dma_wait3A_219, %dma_wait3A_220] : memref<26x32x16384xf32, #tpu.memory_space<hbm>> -> memref<1x1x8192xf32, #tpu.memory_space<hbm>>
    %dma_wait3A_222 = tpu.memref_squeeze %dma_wait3A_221 : memref<1x1x8192xf32, #tpu.memory_space<hbm>> -> memref<8192xf32, #tpu.memory_space<hbm>>
    %dma_wait3A_223 = arith.constant 0 : i32
    %dma_wait3A_224 = tpu.memref_slice %arg4[%dma_wait3A_218, %dma_wait3A_219, %dma_wait3A_223] : memref<26x32x16384xf32, #tpu.memory_space<hbm>> -> memref<1x1x8192xf32, #tpu.memory_space<hbm>>
    %dma_wait3A_225 = tpu.memref_squeeze %dma_wait3A_224 : memref<1x1x8192xf32, #tpu.memory_space<hbm>> -> memref<8192xf32, #tpu.memory_space<hbm>>
    tpu.wait_dma2 semaphore(%arg13 : memref<!tpu.dma_semaphore, #tpu.memory_space<semaphore_mem>>) src(%arg8 : memref<8192xf32, #tpu.memory_space<vmem>>) dst(%dma_wait3A_225 : memref<8192xf32, #tpu.memory_space<hbm>>)
    return
  }
}

</mosaic_0001>

<sc_bundles>
// kernel: kernel.3.cloned.1.call-start
scs
__scs_entry_jumppad:
0x0: {  	(pc) =	sbr.rel $0x88, $3  }
0x1: {  	(tag) =	ssettag $0x0;
	lr =	simm.s32 $0x1  }
0x2: {  	[smem:$0x3F9F] =	sst lr;
	_ =	strace $0xD0000000  }
0x3: {  	_ = 	snop  }
0x4: {  	_ = 	snop  }
0x5: {  	_ = 	snop  }
0x6: {  	_ = 	snop  }
0x7: {  	_ = 	snop  }
__scs_overlays_trampoline_lowered:
0x8: {  	[smem:$0x3FAE] =	sst s0  }
0x9: {  	[smem:$0x3FAF] =	sst s1  }
0xa: {  	[smem:$0x3FB0] =	sst s2  }
0xb: {  	[smem:$0x3FB1] =	sst s3  }
0xc: {  	[smem:$0x3FB2] =	sst s4  }
0xd: {  	[smem:$0x3FB3] =	sst s5  }
0xe: {  	[smem:$0x3FB4] =	sst s6  }
0xf: {  	[smem:$0x3FB5] =	sst s7  }
0x10: {  	[smem:$0x3FB6] =	sst s8  }
0x11: {  	[smem:$0x3FB7] =	sst s9;
	s0 =	simm.s32 @!p0 $0x0  }
0x12: {  	s1 =	sld [smem:$0x3F9D];
	s0 =	simm.s32 @p0 $0x1  }
0x13: {  	[smem:$0x3FB8] =	sst s0;
	s0 =	simm.s32 @!p1 $0x0  }
0x14: {  	s2 =	sld [smem:$0x3F9C];
	s0 =	simm.s32 @p1 $0x1  }
0x15: {  	[smem:$0x3FB9] =	sst s0;
	s0 =	simm.s32 @!p2 $0x0  }
0x16: {  	s3 =	sld [smem:$0x3FDB];
	s0 =	simm.s32 @p2 $0x1  }
0x17: {  	s4 =	simm.s32 $0x1BF5;
	[smem:$0x3FBB] =	sst s0  }
0x18: {  	s0 =	sld [smem:$0x3F9E];
	_ =	swait.ge [sflag:s4], $0x0  }
0x19: {  	s7 =	sld [smem:$0x3F9F]  }
0x1a: {  	s8 =	sadd.s32 $0xFFFFE003, lr  }
0x1b: {  	s9 =	sadd.s32 $0xFFFFFEF7, lr;
	s5 =	simm.s32 $0xFFFFFFFF;
	p2 =	slt.u32 s8, $0xFFFFF086  }
0x1c: {  	p1 =	slt.u32 s9, $0xF7A;
	s5 =	simm.s32 @!p2 $0x0  }
0x1d: {  	s5 =	simm.s32 @p1 $0x1;
	p0 =	seq.s32 s7, s2  }
0x1e: {  	s7 =	smul.u32 @!p0 $0xF7A, s2;
	p2 =	seq.s32 @!p0 s5, $0x0  }
0x1f: {  	s9 =	smul.u32 $0xF7A, s1;
	s8 =	simm.s32 @!p0 $0x1BF5;
	p2 =	por !p2, p0  }
0x20: {  	[sflag:s8] =	ssyncset.s32 @!p0 $0xFFFFF086;
	s6 =	sadd.s32 @!p0 s3, s7;
	s7 =	simm.s32 @!p0 $0x108  }
0x21: {  	s3 =	sadd.s32 s3, s9;
	s6 =	sadd.s32 @!p0 $0x88, s6;
	s7 =	simm.s32 @p2 $0x1082  }
0x22: {  	[simem:s7], [sflag:s8] =	dma.local @!p0 [hbm:s6], $0xF7A  }
0x23: {  	s9 =	sor.u32 $0xD0000000, s2;
	s6 =	simm.s32 $0x108;
	_ =	swait.ge @!p0 [sflag:s8], $0x0  }
0x24: {  	s3 =	sadd.s32 $0x88, s3;
	s6 =	simm.s32 @!p1 $0x1082;
	[sflag:s4] =	ssyncset.s32 $0xFFFFF086  }
0x25: {  	[simem:s6], [sflag:s4] =	dma.local [hbm:s3], $0xF7A  }
0x26: {  	[smem:$0x3F9F] =	sst s1;
	(tag) =	ssettag s2;
	_ =	strace s9  }
0x27: {  	s1 =	sld [smem:$0x3FAF]  }
0x28: {  	s2 =	sld [smem:$0x3FB0]  }
0x29: {  	s4 =	sld [smem:$0x3FB2]  }
0x2a: {  	p0 =	seq.s32 s5, $0x0;
	s5 =	sld [smem:$0x3FB3]  }
0x2b: {  	s6 =	sld [smem:$0x3FB4]  }
0x2c: {  	s7 =	sld [smem:$0x3FB5]  }
0x2d: {  	s3 =	simm.s32 $0x108;
	s8 =	sld [smem:$0x3FB6]  }
0x2e: {  	s3 =	simm.s32 @!p0 $0x1082;
	s9 =	sld [smem:$0x3FB7]  }
0x2f: {  	lr =	sadd.s32 s0, s3;
	s0 =	sld [smem:$0x3FAE]  }
0x30: {  	s3 =	sld [smem:$0x3FB1]  }
0x31: {  	[smem:$0x3FBA] =	sst s10  }
0x32: {  	s10 =	sld [smem:$0x3FB8];
	_ =	sdelay $0x3  }
0x33: {  	p0 =	seq.s32 s10, $0x1;
	s10 =	sld [smem:$0x3FBA];
	_ =	sdelay $0x3  }
0x34: {  	[smem:$0x3FBA] =	sst s10  }
0x35: {  	s10 =	sld [smem:$0x3FB9];
	_ =	sdelay $0x3  }
0x36: {  	p1 =	seq.s32 s10, $0x1;
	s10 =	sld [smem:$0x3FBA];
	_ =	sdelay $0x3  }
0x37: {  	[smem:$0x3FBA] =	sst s10  }
0x38: {  	s10 =	sld [smem:$0x3FBB]  }
0x39: {  	_ = 	snop;
	(pc) =	sbr.ind lr, $3  }
0x3a: {  	_ = 	snop  }
0x3b: {  	_ = 	snop  }
0x3c: {  	p2 =	seq.s32 s10, $0x1;
	s10 =	sld [smem:$0x3FBA]  }
0x3d: {  	_ =	shalt  }
0x3e: {  	_ =	shalt  }
0x3f: {  	_ =	shalt  }
0x40: {  	_ =	shalt  }
0x41: {  	_ =	shalt  }
0x42: {  	_ =	shalt  }
0x43: {  	_ =	shalt  }
0x44: {  	_ =	shalt  }
0x45: {  	_ =	shalt  }
0x46: {  	_ =	shalt  }
0x47: {  	_ =	shalt  }
0x48: {  	_ =	shalt  }
0x49: {  	_ =	shalt  }
0x4a: {  	_ =	shalt  }
0x4b: {  	_ =	shalt  }
0x4c: {  	_ =	shalt  }
0x4d: {  	_ =	shalt  }
0x4e: {  	_ =	shalt  }
0x4f: {  	_ =	shalt  }
0x50: {  	_ =	shalt  }
0x51: {  	_ =	shalt  }
0x52: {  	_ =	shalt  }
0x53: {  	_ =	shalt  }
0x54: {  	_ =	shalt  }
0x55: {  	_ =	shalt  }
0x56: {  	_ =	shalt  }
0x57: {  	_ =	shalt  }
0x58: {  	_ =	shalt  }
0x59: {  	_ =	shalt  }
0x5a: {  	_ =	shalt  }
0x5b: {  	_ =	shalt  }
0x5c: {  	_ =	shalt  }
0x5d: {  	_ =	shalt  }
0x5e: {  	_ =	shalt  }
0x5f: {  	_ =	shalt  }
0x60: {  	_ =	shalt  }
0x61: {  	_ =	shalt  }
0x62: {  	_ =	shalt  }
0x63: {  	_ =	shalt  }
0x64: {  	_ =	shalt  }
0x65: {  	_ =	shalt  }
0x66: {  	_ =	shalt  }
0x67: {  	_ =	shalt  }
0x68: {  	_ =	shalt  }
0x69: {  	_ =	shalt  }
0x6a: {  	_ =	shalt  }
0x6b: {  	_ =	shalt  }
0x6c: {  	_ =	shalt  }
0x6d: {  	_ =	shalt  }
0x6e: {  	_ =	shalt  }
0x6f: {  	_ =	shalt  }
0x70: {  	_ =	shalt  }
0x71: {  	_ =	shalt  }
0x72: {  	_ =	shalt  }
0x73: {  	_ =	shalt  }
0x74: {  	_ =	shalt  }
0x75: {  	_ =	shalt  }
0x76: {  	_ =	shalt  }
0x77: {  	_ =	shalt  }
0x78: {  	_ =	shalt  }
0x79: {  	_ =	shalt  }
0x7a: {  	_ =	shalt  }
0x7b: {  	_ =	shalt  }
0x7c: {  	_ =	shalt  }
0x7d: {  	_ =	shalt  }
0x7e: {  	_ =	shalt  }
0x7f: {  	_ =	shalt  }
0x80: {  	_ =	shalt  }
0x81: {  	_ =	shalt  }
0x82: {  	_ =	shalt  }
0x83: {  	_ =	shalt  }
0x84: {  	_ =	shalt  }
0x85: {  	_ =	shalt  }
0x86: {  	_ =	shalt  }
0x87: {  	_ =	shalt  }
.Lfunc_end0:
.L_simem_size_0:
called_computation_lowered:
.L_overlay_start_0:
0x88: {  	s2 =	sld [smem:$0x3FD9]  }
0x89: {  	s3 =	sld [smem:$0x3FFE];
	_ =	sdelay $0x1  }
0x8a: {  	s1 =	srdreg.scid  }
0x8b: {  	s0 =	sand.u32 $0x1, s1  }
0x8c: {  	s18 =	sshll.u32 s0, $0xA;
	s2 =	sadd.s32 s3, s2  }
0x8d: {  	s2 =	sadd.s32 s2, s18  }
0x8e: {  	[smem:$0x3FC6] =	sst s2  }
0x8f: {  	_ = 	snop  }
0x90: {  	s2 =	sld [smem:$0x3FC9]  }
0x91: {  	s19 =	sld [smem:$0x3FC8]  }
0x92: {  	s4 =	sld [smem:$0x3FD0];
	(tm) =	ssettm $0x1  }
0x93: {  	s5 =	sld [smem:$0x3FFB];
	_ =	sdelay $0x3  }
0x94: {  	_ =	strace s5  }
0x95: {  	s5 =	sld [smem:$0x3FFC];
	_ =	sdelay $0x3  }
0x96: {  	_ =	strace s5  }
0x97: {  	s5 =	sld [smem:$0x3FFD];
	_ =	sdelay $0x3  }
0x98: {  	_ =	strace s5  }
0x99: {  	_ =	strace $0x8FFFFFFF  }
0x9a: {  	s20 =	sld [smem:$0x3FDB];
	_ =	sdelay $0x1  }
0x9b: {  	s6 =	simm.s32 $_scs_section_size  }
0x9c: {  	s7 =	simm.s32 $_size__tile_overlayer_lowered;
	s8 =	simm.s32 $_tile_overlayer_lowered  }
0x9d: {  	s23 =	simm.s32 $0x1BFF;
	s22 =	sshll.u32 s8, $0x1;
	s5 =	sadd.s32 s6, s20  }
0x9e: {  	s9 =	simm.s32 $0x0;
	s21 =	sshll.u32 s7, $0x1;
	s7 =	sadd.s32 s22, s5  }
0x9f: {  	[timem:s9], [sflag:s23] =	dma.local [hbm:s7], s21  }
0xa0: {  	_ =	swait.ge [sflag:s23], s21  }
0xa1: {  	s6 =	ssub.s32 $0x0, s21;
	[sflag:s23] =	ssyncset.done $0x0  }
0xa2: {  	[sflag:s23] =	ssyncadd.s32 s6;
	_ =	sdelay $0x1  }
0xa3: {  	s24 =	simm.s32 $0x1B8B  }
0xa4: {  	_ =	swait.ge [sflag:s24], $0x1  }
0xa5: {  	[sflag:s24] =	ssyncset.done $0x0  }
0xa6: {  	s25 =	simm.s32 $0x1B8E;
	[sflag:s24] =	ssyncadd.s32 $0xFFFFFFFF  }
0xa7: {  	s26 =	simm.s32 $execute0_lowered;
	[smem:$0x3FD2] =	sst s25  }
0xa8: {  	s6 =	sshll.u32 s26, $0x1;
	_ =	strace $0x80000046;
	[dreg:$0x1] =	wrdreg $0xFFFFFFFF  }
0xa9: {  	s28 =	simm.s32 $_size_execute0_lowered;
	s5 =	sadd.s32 s5, s6;
	[dreg:$0x0] =	wrdreg $0x0  }
0xaa: {  	s6 =	sshll.u32 s28, $0x1;
	[dreg:$0x2] =	wrdreg s5  }
0xab: {  	[dreg:$0x3] =	wrdreg s6  }
0xac: {  	[dreg:$0x4] =	wrdreg $0xC0  }
0xad: {  	_ =	task [dreg:s9], $0x5FFFF  }
0xae: {  	[dreg:$0x1] =	wrdreg $0xFFFFFFFF  }
0xaf: {  	[dreg:$0x0] =	wrdreg $0x60  }
0xb0: {  	[dreg:$0x2] =	wrdreg s2  }
0xb1: {  	[dreg:$0x3] =	wrdreg s19  }
0xb2: {  	[dreg:$0x4] =	wrdreg s4  }
0xb3: {  	[dreg:$0x5] =	wrdreg $0x1E7000  }
0xb4: {  	[dreg:$0x6] =	wrdreg $0x9  }
0xb5: {  	_ =	task.clear_ibuf [dreg:s9], $0x7FFFF;
	_ =	strace $0x90000046  }
0xb6: {  	s29 =	simm.s32 $0x9;
	_ =	strace $0x80000048  }
0xb7: {  	_ =	swait.ge [sflag:s29], $0x1  }
0xb8: {  	[sflag:s29] =	ssyncadd.s32 $0xFFFFFFFF  }
0xb9: {  	_ =	strace $0x90000048  }
0xba: {  	_ =	sfence  }
0xbb: {  	s30 =	sld [smem:$0x0];
	_ =	sdelay $0x2  }
0xbc: {  	s31 =	sshll.u32 s1, $0xD;
	s1 =	sshrl.u32 s1, $0x2  }
0xbd: {  	s3 =	sand.u32 $0x4000, s31;
	s1 =	sadd.s32 s1, s30  }
0xbe: {  	s0 =	sor.u32 s3, s0;
	s1 =	sshll.u32 s1, $0x11  }
0xbf: {  	s0 =	sor.u32 s1, s0  }
0xc0: {  	s0 =	sadd.s32 $0x8F2B, s0  }
0xc1: {  	[sflag:s0] =	ssyncadd.remote.s32 $0x1  }
0xc2: {  	_ =	sfence.sel $0xFFFF  }
0xc3: {  	[dreg:$0x0] =	wrdreg $0xFFFFFFFF;
	(pc) =	sbr.abs _section_cstart, $3  }
0xc4: {  	[dreg:$0x1] =	wrdreg $0xFFFFFFFF  }
0xc5: {  	_ =	task.clear_ibuf [dreg:s9], $0x2FFFF;
	_ =	strace $0x9FFFFFFF  }
0xc6: {  	(tm) =	ssettm $0x7FFFFFFF  }
0xc7: {  	_ =	shalt  }
tec
execute0_lowered:
.L_overlay_start_1:
0x0: {  	(tag) =	ssettag $0x1  }
0x1: {  	s9 =	rddreg [dreg:$0x0]  }
0x2: {  	s31 =	rddreg [dreg:$0x1]  }
0x3: {  	s10 =	rddreg [dreg:$0x2]  }
0x4: {  	s4 =	rddreg [dreg:$0x3];
	s5 =	simm.s32 $0x0;
	s0 =	srdreg.scid  }
0x5: {  	s1 =	stileid.u32;
	s29 =	simm.s32 $0x1C700;
	s0 =	sand.u32 $0x1, s0  }
0x6: {  	s2 =	sshrl.u32 s1, $0x2;
	s3 =	sshll.u32 s1, $0x8;
	[smem:$0x7FF] =	sst s5  }
0x7: {  	s20 =	sadd.s32 $0x10, s9;
	s13 =	sadd.s32 $0x4000, s4;
	s25 =	sadd.s32 $0x20, s9  }
0x8: {  	s26 =	sadd.s32 $0x2000, s10;
	s7 =	smul.u32 $0xC3800, s2;
	s6 =	sshll.u32 s0, $0x7  }
0x9: {  	s3 =	sand.u32 $0x300, s3;
	_ =	strace $0x80000047;
	[dreg:$0xa] =	wrdreg s20  }
0xa: {  	s0 =	ssub.s32 $0x2, s0;
	s2 =	sshll.u32 s2, $0x11;
	[dreg:$0xe] =	wrdreg s25  }
0xb: {  	[dreg:$0xf] =	wrdreg s26;
	s11 =	sor.u32 s6, s3;
	s17 =	sshrl.u32 s0, $0x1  }
0xc: {  	[dreg:$0x5] =	wrdreg s7;
	s3 =	sor.u32 s7, s11;
	s0 =	ssub.s32 s0, s17  }
0xd: {  	s21 =	sor.u32 s2, s11;
	[dreg:$0x6] =	wrdreg s11;
	s30 =	sor.u32 $0x61C00, s11  }
0xe: {  	s7 =	sshrl.u32 s3, $0x3;
	s8 =	sadd.s32 $0x61C00, s3;
	[dreg:$0xb] =	wrdreg s21  }
0xf: {  	s22 =	sadd.s32 $0x30E000, s3;
	[dreg:$0x12] =	wrdreg s30;
	s0 =	smax.u32 s0, $0x1  }
0x10: {  	s24 =	sadd.s32 $0x36FC00, s3;
	s18 =	sadd.s32 s31, s7;
	[dreg:$0x13] =	wrdreg s0  }
0x11: {  	s19 =	sshrl.u32 s8, $0x3;
	s7 =	sadd.s32 $0x80, s4;
	[dreg:$0x7] =	wrdreg s18  }
0x12: {  	s2 =	sshrl.u32 s22, $0x3;
	s6 =	sadd.s32 s31, s19;
	[dreg:$0x9] =	wrdreg s7  }
0x13: {  	s2 =	sadd.s32 s31, s2;
	[dreg:$0x8] =	wrdreg s6;
	s6 =	sshrl.u32 s21, $0x3  }
0x14: {  	[dreg:$0xd] =	wrdreg s2;
	s2 =	sshrl.u32 s24, $0x3;
	s23 =	sadd.s32 s10, s6  }
0x15: {  	p0 =	sne.s32 s1, $0x0;
	s2 =	sadd.s32 s31, s2;
	[dreg:$0xc] =	wrdreg s23  }
0x16: {  	s24 =	simm.s32 $0xC380;
	s28 =	sadd.s32 s6, s26;
	[dreg:$0x10] =	wrdreg s2  }
0x17: {  	v0 =	vlaneseq.u32;
	[dreg:$0x11] =	wrdreg s28;
	s23 =	simm.s32 $0x80;
	s2 =	simm.s32 $0x0  }
.LBB2_1:
0x18: {  	[dreg:$0x14] =	wrdreg s2  }
0x19: {  	s0 =	rddreg [dreg:$0x7]  }
0x1a: {  	s1 =	simm.s32 $0x400;
	s30 =	rddreg [dreg:$0x8]  }
0x1b: {  	[tilespmem:s5], [sflag:$0x1] =	stream.strided.gather [hbm4b:s0+s23], $0xC380, s1, s23, $0x38;
	[tilespmem:$0x1EF00] =	vst v63  }
0x1c: {  	s26 =	sshrl.u32 @!p0 s4, $0x3;
	s2 =	simm.s32 @!p0 $0x80;
	s3 =	simm.s32 @!p0 $0x1C06  }
0x1d: {  	[tilespmem:s24], [sflag:$0x2] =	stream.strided.gather [hbm4b:s30+s23], $0xC380, s1, s23, $0x38;
	[tilespmem:$0x1EF00] =	vst v63  }
0x1e: {  	s6 =	rddreg [dreg:$0x0];
	s0 =	simm.s32 @!p0 $0x1;
	s1 =	simm.s32 @!p0 $0x20  }
0x1f: {  	[spmem:s26@s1], [sflag:s3] =	dma.strided @!p0 [hbm:s6@s2], $0x800, s0, $0x10   }
0x20: {  	s6 =	sshrl.u32 @!p0 s7, $0x3;
	s8 =	rddreg [dreg:$0xa]  }
0x21: {  	[spmem:s6@s1], [sflag:s3] =	dma.strided @!p0 [hbm:s8@s2], $0x800, s0, $0x10   }
0x22: {  	s0 =	simm.s32 @!p0 $0x6  }
0x23: {  	_ =	swait.ge @!p0 [sflag:s0], $0x800  }
0x24: {  	[sflag:s0] =	ssyncset.done @!p0 $0x0  }
0x25: {  	s25 =	simm.s32 $0x400;
	s1 =	sadd.s32 $0x0, s4;
	[sflag:s0] =	ssyncadd.s32 @!p0 $0xFFFFF800  }
0x26: {  	s2 =	simm.s32 $0x18700;
	s0 =	simm.s32 $0x400;
	[bflag:$0x0] =	sbarrier.arrive $0xFFFF  }
.LBB2_2:
0x27: {  	[tilespmem:s2], [sflag:$0x3] =	stream.linear.gather [spmem:s1], $0x80, $0x38;
	[tilespmem:$0x1EF00] =	vst v63  }
0x28: {  	s1 =	smov.u32 s0;
	p1 =	sne.s32 s0, $0xFC00  }
.Ltmp0:
0x29: {  	s0 =	sadd.s32 $0x400, s0;
	(pc) =	sbr.rel @p1 .LBB2_2-.Ltmp0, $3  }
0x2a: {  	_ =	sdelay $0x1  }
0x2b: {  	s2 =	sshra.s32 s1, $0x2  }
0x2c: {  	s1 =	sadd.s32 s2, s4;
	s2 =	sadd.s32 $0x18700, s2  }
0x2d: {  	[tilespmem:s2], [sflag:$0x3] =	stream.linear.gather [spmem:s1], $0x80, $0x38;
	[tilespmem:$0x1EF00] =	vst v63  }
0x2e: {  	s0 =	simm.s32 $0x3  }
0x2f: {  	_ =	swait.ge [sflag:s0], $0x2000  }
0x30: {  	s1 =	sadd.s32 $0x0, s13;
	[sflag:s0] =	ssyncset.done $0x0  }
0x31: {  	s2 =	simm.s32 $0x18780;
	[sflag:s0] =	ssyncadd.s32 $0xFFFFE000;
	s0 =	simm.s32 $0x400  }
.LBB2_4:
0x32: {  	[tilespmem:s2], [sflag:$0x4] =	stream.linear.gather [spmem:s1], $0x80, $0x38;
	[tilespmem:$0x1EF00] =	vst v63  }
0x33: {  	s1 =	smov.u32 s0;
	p1 =	sne.s32 s0, $0xFC00  }
.Ltmp1:
0x34: {  	s0 =	sadd.s32 $0x400, s0;
	(pc) =	sbr.rel @p1 .LBB2_4-.Ltmp1, $3  }
0x35: {  	_ =	sdelay $0x1  }
0x36: {  	s2 =	sshra.s32 s1, $0x2  }
0x37: {  	s1 =	sadd.s32 s2, s13;
	s2 =	sadd.s32 $0x18780, s2  }
0x38: {  	[tilespmem:s2], [sflag:$0x4] =	stream.linear.gather [spmem:s1], $0x80, $0x38;
	[tilespmem:$0x1EF00] =	vst v63  }
0x39: {  	s0 =	simm.s32 $0x0  }
0x3a: {  	s3 =	simm.s32 $0x1;
	s9 =	sand.u32 $0xFC00, s0  }
0x3b: {  	_ =	swait.ge [sflag:s3], $0xC380;
	s10 =	sand.u32 $0x40, s0;
	s1 =	sshrl.u32 s9, $0x2  }
0x3c: {  	[sflag:s3] =	ssyncset.done $0x0;
	s12 =	sor.u32 $0x30, s10;
	s1 =	sadd.s32 $0x18700, s1  }
0x3d: {  	[sflag:s3] =	ssyncadd.s32 $0xFFFF3C80;
	s11 =	sor.u32 s12, s1  }
0x3e: {  	s16 =	sor.u32 $0x10, s10;
	s14 =	sor.u32 s10, s1;
	v1 =	vld [tilespmem:s11+$0x0]  }
0x3f: {  	s7 =	sor.u32 $0x20, s10;
	s15 =	sor.u32 s16, s1;
	v2 =	vld [tilespmem:s14+$0x0]  }
0x40: {  	s17 =	simm.s32 $0x200;
	s1 =	sor.u32 s7, s1;
	v3 =	vld [tilespmem:s15+$0x0]  }
0x41: {  	s6 =	simm.s32 $0x40;
	s18 =	sand.u32 $0xFC00, s17;
	v4 =	vld [tilespmem:s1+$0x0]  }
0x42: {  	s19 =	sand.u32 $0x40, s6;
	s2 =	sshrl.u32 s18, $0x2  }
0x43: {  	s2 =	sadd.s32 $0x18700, s2;
	s3 =	sor.u32 $0x30, s19;
	vm0 =	vlt.s32 v1, $0xC37F  }
0x44: {  	s9 =	sor.u32 s3, s2;
	vm11 =	vlt.s32 v2, $0xC37F;
	v1 =	vnsel vm0, $0xC37F, v1  }
0x45: {  	v5 =	vld [tilespmem:s9+$0x0];
	s11 =	sor.u32 s19, s2;
	s9 =	sor.u32 $0x10, s19;
	vm12 =	vlt.s32 v3, $0xC37F;
	v2 =	vnsel vm11, $0xC37F, v2  }
0x46: {  	s14 =	sor.u32 $0x20, s19;
	v7 =	vld [tilespmem:s11+$0x0];
	s20 =	sor.u32 s9, s2;
	vm13 =	vlt.s32 v4, $0xC37F;
	v3 =	vnsel vm12, $0xC37F, v3  }
0x47: {  	s2 =	sor.u32 s14, s2;
	v8 =	vld [tilespmem:s20+$0x0];
	v4 =	vnsel vm13, $0xC37F, v4  }
0x48: {  	s21 =	simm.s32 $0x400;
	v9 =	vld [tilespmem:s2+$0x0]  }
0x49: {  	s1 =	sand.u32 $0xFC00, s21;
	s11 =	simm.s32 $0x80;
	v1 =	vld.idx.msk [tilespmem:v1+s5+$0x0], $0xffff  }
0x4a: {  	s22 =	sand.u32 $0x1F80, s0;
	s1 =	sshrl.u32 s1, $0x2;
	s17 =	sand.u32 $0x40, s11;
	vm14 =	vlt.s32 v5, $0xC37F;
	v6 =	vld.idx.msk [tilespmem:v2+s5+$0x0], $0xffff  }
0x4b: {  	s19 =	sadd.s32 $0x1C700, s22;
	s18 =	sadd.s32 $0x18700, s1;
	s0 =	sor.u32 $0x30, s17;
	v5 =	vnsel vm14, $0xC37F, v5;
	v10 =	vld.idx.msk [tilespmem:v3+s5+$0x0], $0xffff  }
0x4c: {  	s12 =	sor.u32 s12, s19;
	s1 =	sor.u32 s0, s18;
	v11 =	vld.idx.msk [tilespmem:v4+s5+$0x0], $0xffff  }
0x4d: {  	s21 =	sor.u32 s17, s18;
	s15 =	sor.u32 $0x10, s17;
	vm15 =	vlt.s32 v7, $0xC37F;
	v2 =	vld [tilespmem:s1+$0x0];
	s1 =	sor.u32 $0x20, s17  }
0x4e: {  	s2 =	simm.s32 $0x1C700;
	s28 =	sor.u32 s15, s18;
	vm1 =	vlt.s32 v8, $0xC37F;
	v3 =	vld [tilespmem:s21+$0x0];
	v4 =	vnsel vm15, $0xC37F, v7;
	s18 =	sor.u32 s1, s18;
	[tilespmem:s12+$0x0] =	vst v1  }
0x4f: {  	s30 =	sor.u32 s16, s19;
	vm2 =	vlt.s32 v9, $0xC37F;
	v8 =	vnsel vm1, $0xC37F, v8;
	v7 =	vld [tilespmem:s18+$0x0];
	[tilespmem:s2+$0x0] =	vst v6  }
0x50: {  	s6 =	sand.u32 $0x1F80, s6;
	s19 =	sor.u32 s7, s19;
	v1 =	vld.idx.msk [tilespmem:v5+s5+$0x0], $0xffff;
	[tilespmem:s30+$0x0] =	vst v10;
	v5 =	vnsel vm2, $0xC37F, v9  }
0x51: {  	s16 =	simm.s32 $0x8;
	s7 =	simm.s32 $0x600;
	v6 =	vld [tilespmem:s28+$0x0];
	s12 =	simm.s32 $0xC0;
	[tilespmem:s19+$0x0] =	vst v11  }
.LBB2_6:
0x52: {  	s17 =	sand.u32 $0x40, s12;
	s18 =	sand.u32 $0xFC00, s7;
	s16 =	sadd.s32 $0x4, s16  }
0x53: {  	vm0 =	vlt.s32 v2, $0xC37F;
	v9 =	vld.idx.msk [tilespmem:v4+s5+$0x0], $0xffff;
	s19 =	smov.u32 s11;
	s11 =	smov.u32 s12;
	s6 =	sadd.s32 $0x1C700, s6  }
0x54: {  	s18 =	sshrl.u32 s18, $0x2;
	p1 =	slt.u32 s16, $0x1FC;
	vm1 =	vlt.s32 v3, $0xC37F;
	v10 =	vnsel vm0, $0xC37F, v2;
	v11 =	vld.idx.msk [tilespmem:v8+s5+$0x0], $0xffff;
	s21 =	sor.u32 $0x30, s17  }
0x55: {  	s3 =	sor.u32 s3, s6;
	s8 =	sor.u32 $0x10, s17;
	s18 =	sadd.s32 $0x18700, s18;
	v4 =	vnsel vm1, $0xC37F, v3;
	v12 =	vld.idx.msk [tilespmem:v5+s5+$0x0], $0xffff  }
0x56: {  	s20 =	sor.u32 $0x20, s17;
	s10 =	sor.u32 s21, s18;
	vm0 =	vlt.s32 v6, $0xC37F;
	[tilespmem:s3+$0x0] =	vst v1;
	s3 =	sor.u32 s17, s18  }
.Ltmp2:
0x57: {  	s17 =	sor.u32 s8, s18;
	s18 =	sor.u32 s20, s18;
	v2 =	vld [tilespmem:s10+$0x0];
	v8 =	vnsel vm0, $0xC37F, v6;
	vm0 =	vlt.s32 v7, $0xC37F;
	(pc) =	sbr.rel @p1 .LBB2_6-.Ltmp2, $4  }
0x58: {  	s2 =	sadd.s32 $0x40, s2;
	s30 =	sor.u32 s14, s6;
	s10 =	sor.u32 s9, s6;
	v3 =	vld [tilespmem:s3+$0x0];
	v5 =	vnsel vm0, $0xC37F, v7  }
0x59: {  	s9 =	smov.u32 s15;
	s3 =	smov.u32 s0;
	s0 =	smov.u32 s21;
	v1 =	vld.idx.msk [tilespmem:v10+s5+$0x0], $0xffff;
	[tilespmem:s2+$0x0] =	vst v9  }
0x5a: {  	s14 =	smov.u32 s1;
	s1 =	smov.u32 s20;
	s15 =	smov.u32 s8;
	v6 =	vld [tilespmem:s17+$0x0];
	[tilespmem:s10+$0x0] =	vst v11  }
0x5b: {  	s7 =	sadd.s32 $0x200, s7;
	s12 =	sadd.s32 $0x40, s12;
	s6 =	sand.u32 $0x1F80, s19;
	v7 =	vld [tilespmem:s18+$0x0];
	[tilespmem:s30+$0x0] =	vst v12  }
0x5c: {  	_ = 	snop  }
0x5d: {  	vm0 =	vlt.s32 v2, $0xC37F  }
0x5e: {  	vm1 =	vlt.s32 v3, $0xC37F;
	v2 =	vnsel vm0, $0xC37F, v2  }
0x5f: {  	v3 =	vnsel vm1, $0xC37F, v3;
	vm0 =	vlt.s32 v6, $0xC37F  }
0x60: {  	v4 =	vld.idx.msk [tilespmem:v4+s5+$0x0], $0xffff;
	v6 =	vnsel vm0, $0xC37F, v6;
	vm0 =	vlt.s32 v7, $0xC37F  }
0x61: {  	v8 =	vld.idx.msk [tilespmem:v8+s5+$0x0], $0xffff;
	v7 =	vnsel vm0, $0xC37F, v7  }
0x62: {  	s6 =	sadd.s32 $0x1C700, s6;
	v5 =	vld.idx.msk [tilespmem:v5+s5+$0x0], $0xffff  }
0x63: {  	s3 =	sor.u32 s3, s6;
	v2 =	vld.idx.msk [tilespmem:v2+s5+$0x0], $0xffff  }
0x64: {  	s2 =	sadd.s32 $0x40, s2;
	[tilespmem:s3+$0x0] =	vst v1;
	v1 =	vld.idx.msk [tilespmem:v3+s5+$0x0], $0xffff  }
0x65: {  	s7 =	sand.u32 $0x1F80, s11;
	s17 =	sor.u32 s9, s6;
	[tilespmem:s2+$0x0] =	vst v4;
	v3 =	vld.idx.msk [tilespmem:v6+s5+$0x0], $0xffff  }
0x66: {  	s6 =	sor.u32 s14, s6;
	s18 =	sadd.s32 $0x1C700, s7;
	[tilespmem:s17+$0x0] =	vst v8;
	v4 =	vld.idx.msk [tilespmem:v7+s5+$0x0], $0xffff  }
0x67: {  	s0 =	sor.u32 s0, s18;
	[tilespmem:s6+$0x0] =	vst v5  }
0x68: {  	s19 =	sadd.s32 $0x40, s2;
	[tilespmem:s0+$0x0] =	vst v2  }
0x69: {  	s20 =	sor.u32 s15, s18;
	[tilespmem:s19+$0x0] =	vst v1  }
0x6a: {  	s22 =	simm.s32 $0x0;
	s21 =	sor.u32 s1, s18;
	[tilespmem:s20+$0x0] =	vst v3  }
0x6b: {  	s28 =	simm.s32 $0x2;
	s9 =	simm.s32 $0x0;
	s2 =	simm.s32 $0x30;
	[tilespmem:s21+$0x0] =	vst v4  }
0x6c: {  	s6 =	simm.s32 $0x10;
	s0 =	sand.u32 $0x3F00, s22;
	_ =	swait.ge [sflag:s28], $0xC380  }
0x6d: {  	s30 =	sand.u32 $0x70, s2;
	s0 =	sadd.s32 $0x18700, s0;
	[sflag:s28] =	ssyncset.done $0x0  }
0x6e: {  	s12 =	sand.u32 $0x50, s6;
	s1 =	sor.u32 s30, s0;
	[sflag:s28] =	ssyncadd.s32 $0xFFFF3C80  }
0x6f: {  	s8 =	simm.s32 $0x20;
	s14 =	sand.u32 $0x40, s9;
	s7 =	sor.u32 s12, s0;
	v1 =	vld [tilespmem:s1+$0x0]  }
0x70: {  	s15 =	sand.u32 $0x60, s8;
	s1 =	sor.u32 s14, s0;
	v2 =	vld [tilespmem:s7+$0x0]  }
0x71: {  	s16 =	simm.s32 $0x80;
	s0 =	sor.u32 s15, s0;
	v3 =	vld [tilespmem:s1+$0x0]  }
0x72: {  	s17 =	sand.u32 $0x3F00, s16;
	v4 =	vld [tilespmem:s0+$0x0];
	s1 =	simm.s32 $0x70  }
0x73: {  	s18 =	sadd.s32 $0x18700, s17;
	s20 =	simm.s32 $0x50;
	s19 =	sand.u32 $0x70, s1  }
0x74: {  	s21 =	sand.u32 $0x50, s20;
	s28 =	simm.s32 $0x60;
	s7 =	sor.u32 s19, s18;
	v1 =	vadd.s32 $0xFFFF3C80, v1  }
0x75: {  	s11 =	sor.u32 s21, s18;
	s30 =	sand.u32 $0x60, s28;
	v5 =	vld [tilespmem:s7+$0x0];
	v2 =	vadd.s32 $0xFFFF3C80, v2;
	vm0 =	vgt.s32 v1, $0xFFFFFFFF  }
0x76: {  	s10 =	simm.s32 $0x40;
	s12 =	simm.s32 $0x100;
	v8 =	vld [tilespmem:s11+$0x0];
	s0 =	sor.u32 s30, s18;
	v3 =	vadd.s32 $0xFFFF3C80, v3;
	vm1 =	vgt.s32 v2, $0xFFFFFFFF  }
0x77: {  	s22 =	sand.u32 $0x40, s10;
	s14 =	sand.u32 $0x3F00, s12;
	v11 =	vld [tilespmem:s0+$0x0];
	s0 =	simm.s32 $0xB0;
	v9 =	vadd.s32 $0xFFFF3C80, v4;
	vm5 =	vgt.s32 v3, $0xFFFFFFFF  }
0x78: {  	s15 =	sadd.s32 $0x18700, s14;
	s16 =	sand.u32 $0x70, s0;
	s7 =	sor.u32 s22, s18;
	vm4 =	vgt.s32 v9, $0xFFFFFFFF  }
0x79: {  	s3 =	sor.u32 s16, s15;
	v10 =	vld [tilespmem:s7+$0x0]  }
0x7a: {  	v18 =	vor.u32 s6, v0;
	v15 =	vld [tilespmem:s3+$0x0];
	vm2 =	vmmov vm0;
	v19 =	vadd.s32 $0xFFFF3C80, v5  }
0x7b: {  	v17 =	vor.u32 s2, v0;
	s17 =	simm.s32 $0x90;
	vm3 =	vmmov vm1;
	vm7 =	vgt.s32 v19, $0xFFFFFFFF;
	v14 =	vld.idx.msk [tilespmem:v1+s24+$0x0], vm0  }
0x7c: {  	v6 =	vor.u32 s9, v0;
	v8 =	vadd.s32 $0xFFFF3C80, v8;
	v4 =	vor.u32 s17, v0;
	v20 =	vld.idx.msk [tilespmem:v2+s24+$0x0], vm1  }
0x7d: {  	s19 =	sand.u32 $0x50, s17;
	s18 =	simm.s32 $0x80;
	v11 =	vadd.s32 $0xFFFF3C80, v11;
	v5 =	vor.u32 s8, v0;
	vm0 =	vmmov vm5;
	v7 =	vld.idx.msk [tilespmem:v3+s24+$0x0], vm5  }
0x7e: {  	s21 =	sor.u32 s19, s15;
	v2 =	vor.u32 s20, v0;
	vm1 =	vmmov vm4;
	s20 =	sand.u32 $0x40, s18;
	v13 =	vld.idx.msk [tilespmem:v9+s24+$0x0], vm4;
	vm4 =	vgt.s32 v8, $0xFFFFFFFF  }
0x7f: {  	s22 =	simm.s32 $0xA0;
	v16 =	vld [tilespmem:s21+$0x0];
	v12 =	vadd.s32 $0xFFFF3C80, v10;
	v10 =	vor.u32 s18, v0;
	v1 =	vor.u32 s28, v0;
	s28 =	sor.u32 s20, s15  }
0x80: {  	s6 =	simm.s32 $0x180;
	s30 =	sand.u32 $0x60, s22;
	vm6 =	vgt.s32 v12, $0xFFFFFFFF;
	v3 =	vor.u32 s10, v0;
	v9 =	vor.u32 s22, v0;
	[tilespmem:v17+s29+$0x0] =	vst.idx.msk vm2, v14;
	v17 =	vld [tilespmem:s28+$0x0]  }
0x81: {  	s2 =	simm.s32 $0xB0;
	s3 =	simm.s32 $0x8;
	s7 =	sor.u32 s30, s15;
	vm5 =	vgt.s32 v11, $0xFFFFFFFF;
	vm2 =	vmmov vm7;
	v14 =	vld.idx.msk [tilespmem:v19+s24+$0x0], vm7;
	[tilespmem:v18+s29+$0x0] =	vst.idx.msk vm3, v20;
	vm3 =	vmmov vm4  }
.LBB2_8:
0x82: {  	s8 =	sand.u32 $0x3F00, s6  }
0x83: {  	s3 =	sadd.s32 $0x4, s3;
	v18 =	vld [tilespmem:s7+$0x0];
	v19 =	vadd.s32 $0xFFFF3C80, v15;
	s0 =	sadd.s32 $0x40, s0;
	v20 =	vor.u32 s1, v0;
	[tilespmem:v6+s29+$0x0] =	vst.idx.msk vm0, v7;
	v6 =	vmovc v3;
	v3 =	vmovc v10;
	vm0 =	vmmov vm6;
	s1 =	sadd.s32 $0x18700, s8  }
0x84: {  	s7 =	sand.u32 $0x70, s0;
	p1 =	slt.u32 s3, $0x1FC;
	vm7 =	vgt.s32 v19, $0xFFFFFFFF;
	v21 =	vld.idx.msk [tilespmem:v8+s24+$0x0], vm4;
	s8 =	sadd.s32 $0xFFFFFFE0, s0  }
0x85: {  	s9 =	sadd.s32 $0xFFFFFFF0, s0;
	s10 =	sadd.s32 $0xFFFFFFD0, s0;
	s7 =	sor.u32 s7, s1;
	v8 =	vadd.s32 $0xFFFF3C80, v16;
	v7 =	vld.idx.msk [tilespmem:v12+s24+$0x0], vm6;
	[tilespmem:v5+s29+$0x0] =	vst.idx.msk vm1, v13;
	v5 =	vmovc v1;
	v1 =	vmov v9;
	vm1 =	vmmov vm5  }
.Ltmp3:
0x86: {  	s11 =	sand.u32 $0x50, s8;
	v22 =	vor.u32 s8, v0;
	s8 =	sand.u32 $0x60, s9;
	v15 =	vld [tilespmem:s7+$0x0];
	v12 =	vadd.s32 $0xFFFF3C80, v17;
	vm4 =	vgt.s32 v8, $0xFFFFFFFF;
	(pc) =	sbr.rel @p1 .LBB2_8-.Ltmp3, $4  }
0x87: {  	s12 =	sand.u32 $0x40, s10;
	v10 =	vor.u32 s10, v0;
	v9 =	vor.u32 s9, v0;
	s10 =	sor.u32 s11, s1;
	s7 =	sor.u32 s8, s1;
	vm6 =	vgt.s32 v12, $0xFFFFFFFF;
	v13 =	vld.idx.msk [tilespmem:v11+s24+$0x0], vm5  }
0x88: {  	s8 =	sor.u32 s12, s1;
	s1 =	smov.u32 s2;
	s2 =	smov.u32 s0;
	v16 =	vld [tilespmem:s10+$0x0];
	v11 =	vadd.s32 $0xFFFF3C80, v18;
	[tilespmem:v20+s29+$0x0] =	vst.idx.msk vm2, v14;
	vm2 =	vmmov vm7  }
0x89: {  	v17 =	vld [tilespmem:s8+$0x0];
	vm5 =	vgt.s32 v11, $0xFFFFFFFF  }
0x8a: {  	s6 =	sadd.s32 $0x80, s6;
	v14 =	vld.idx.msk [tilespmem:v19+s24+$0x0], vm7;
	[tilespmem:v2+s29+$0x0] =	vst.idx.msk vm3, v21;
	v2 =	vmov v4;
	v4 =	vmov v22;
	vm3 =	vmmov vm4  }
0x8b: {  	v18 =	vld [tilespmem:s7+$0x0];
	_ =	sdelay $0x1  }
0x8c: {  	v15 =	vadd.s32 $0xFFFF3C80, v15  }
0x8d: {  	vm7 =	vgt.s32 v15, $0xFFFFFFFF;
	v16 =	vadd.s32 $0xFFFF3C80, v16  }
0x8e: {  	v17 =	vadd.s32 $0xFFFF3C80, v17;
	vm8 =	vgt.s32 v16, $0xFFFFFFFF  }
0x8f: {  	v19 =	vor.u32 s1, v0;
	vm9 =	vgt.s32 v17, $0xFFFFFFFF;
	v18 =	vadd.s32 $0xFFFF3C80, v18  }
0x90: {  	vm10 =	vmmov vm6;
	v8 =	vld.idx.msk [tilespmem:v8+s24+$0x0], vm4;
	vm11 =	vgt.s32 v18, $0xFFFFFFFF  }
0x91: {  	v12 =	vld.idx.msk [tilespmem:v12+s24+$0x0], vm6  }
0x92: {  	[tilespmem:v6+s29+$0x0] =	vst.idx.msk vm0, v7;
	v6 =	vld.idx.msk [tilespmem:v11+s24+$0x0], vm5  }
0x93: {  	v7 =	vor.u32 s2, v0;
	[tilespmem:v5+s29+$0x0] =	vst.idx.msk vm1, v13;
	v5 =	vld.idx.msk [tilespmem:v15+s24+$0x0], vm7  }
0x94: {  	[tilespmem:v19+s29+$0x0] =	vst.idx.msk vm2, v14;
	v11 =	vld.idx.msk [tilespmem:v16+s24+$0x0], vm8  }
0x95: {  	[tilespmem:v2+s29+$0x0] =	vst.idx.msk vm3, v8;
	v2 =	vld.idx.msk [tilespmem:v17+s24+$0x0], vm9  }
0x96: {  	[tilespmem:v3+s29+$0x0] =	vst.idx.msk vm10, v12;
	v3 =	vld.idx.msk [tilespmem:v18+s24+$0x0], vm11  }
0x97: {  	[tilespmem:v1+s29+$0x0] =	vst.idx.msk vm5, v6  }
0x98: {  	[tilespmem:v7+s29+$0x0] =	vst.idx.msk vm7, v5  }
0x99: {  	[tilespmem:v4+s29+$0x0] =	vst.idx.msk vm8, v11  }
0x9a: {  	[tilespmem:v10+s29+$0x0] =	vst.idx.msk vm9, v2  }
0x9b: {  	[tilespmem:v9+s29+$0x0] =	vst.idx.msk vm11, v3  }
0x9c: {  	s9 =	simm.s32 $0x1C700;
	s6 =	simm.s32 $0x4;
	s0 =	rddreg [dreg:$0xc]  }
0x9d: {  	[hbm4b:s0+s23] =	stream.strided.scatter [tilespmem:s9], [sflag:$0x5], $0x2000, s25, s23, $0x38;
	[tilespmem:$0x1EF00] =	vst v63  }
0x9e: {  	_ =	swait.ge [sflag:s6], $0x2000  }
0x9f: {  	s7 =	simm.s32 $0x0;
	[sflag:s6] =	ssyncset.done $0x0  }
0xa0: {  	s3 =	simm.s32 $0x5;
	s20 =	sand.u32 $0xFC00, s7;
	[sflag:s6] =	ssyncadd.s32 $0xFFFFE000  }
0xa1: {  	s21 =	sand.u32 $0x40, s7;
	s0 =	sshrl.u32 s20, $0x2;
	_ =	swait.ge [sflag:s3], $0x2000  }
0xa2: {  	s8 =	sor.u32 $0x30, s21;
	s0 =	sadd.s32 $0x18700, s0;
	[sflag:s3] =	ssyncset.done $0x0  }
0xa3: {  	s12 =	simm.s32 $0x200;
	s22 =	sor.u32 s8, s0;
	[sflag:s3] =	ssyncadd.s32 $0xFFFFE000  }
0xa4: {  	s14 =	sand.u32 $0xFC00, s12;
	s10 =	sor.u32 $0x10, s21;
	s28 =	sor.u32 s21, s0;
	v1 =	vld [tilespmem:s22+$0x80]  }
0xa5: {  	s30 =	sor.u32 $0x20, s21;
	s11 =	sor.u32 s10, s0;
	s6 =	simm.s32 $0x40;
	v2 =	vld [tilespmem:s28+$0x80]  }
0xa6: {  	s2 =	sshrl.u32 s14, $0x2;
	s0 =	sor.u32 s30, s0;
	s15 =	sand.u32 $0x40, s6;
	v3 =	vld [tilespmem:s11+$0x80]  }
0xa7: {  	s2 =	sadd.s32 $0x18700, s2;
	s3 =	sor.u32 $0x30, s15;
	v4 =	vld [tilespmem:s0+$0x80]  }
0xa8: {  	s11 =	sor.u32 s3, s2  }
0xa9: {  	vm12 =	vmmov vm5;
	v5 =	vld [tilespmem:s11+$0x80];
	vm0 =	vlt.s32 v1, $0xC37F  }
0xaa: {  	vm6 =	vmmov vm11;
	vm11 =	vlt.s32 v2, $0xC37F;
	v1 =	vnsel vm0, $0xC37F, v1  }
0xab: {  	vm13 =	vmmov vm7;
	s12 =	sor.u32 s15, s2;
	s11 =	sor.u32 $0x10, s15;
	vm12 =	vlt.s32 v3, $0xC37F;
	v2 =	vnsel vm11, $0xC37F, v2  }
0xac: {  	v6 =	vld [tilespmem:s12+$0x80];
	s0 =	sor.u32 $0x20, s15;
	s16 =	sor.u32 s11, s2;
	vm13 =	vlt.s32 v4, $0xC37F;
	v3 =	vnsel vm12, $0xC37F, v3  }
0xad: {  	vm14 =	vmmov vm8;
	s2 =	sor.u32 s0, s2;
	v7 =	vld [tilespmem:s16+$0x80];
	v4 =	vnsel vm13, $0xC37F, v4  }
0xae: {  	s17 =	simm.s32 $0x400;
	v9 =	vld [tilespmem:s2+$0x80];
	vm14 =	vlt.s32 v5, $0xC37F  }
0xaf: {  	s18 =	sand.u32 $0xFC00, s17;
	s14 =	simm.s32 $0x80;
	v5 =	vnsel vm14, $0xC37F, v5;
	v1 =	vld.idx.msk [tilespmem:v1+s5+$0x0], $0xffff  }
0xb0: {  	s19 =	sand.u32 $0x40, s14;
	s2 =	sshrl.u32 s18, $0x2;
	v8 =	vld.idx.msk [tilespmem:v2+s5+$0x0], $0xffff  }
0xb1: {  	s1 =	sand.u32 $0x1F80, s7;
	s15 =	sor.u32 $0x30, s19;
	s17 =	sadd.s32 $0x18700, s2;
	v10 =	vld.idx.msk [tilespmem:v3+s5+$0x0], $0xffff  }
0xb2: {  	vm15 =	vmmov vm9;
	s18 =	sadd.s32 $0x1C700, s1;
	s20 =	sor.u32 s15, s17;
	v11 =	vld.idx.msk [tilespmem:v4+s5+$0x0], $0xffff  }
0xb3: {  	s21 =	sor.u32 s8, s18;
	vm15 =	vlt.s32 v6, $0xC37F;
	v2 =	vld [tilespmem:s20+$0x80]  }
0xb4: {  	s16 =	sor.u32 $0x10, s19;
	s22 =	sor.u32 s19, s17;
	vm1 =	vlt.s32 v7, $0xC37F;
	[tilespmem:s21+$0x0] =	vst v1;
	v1 =	vld.idx.msk [tilespmem:v5+s5+$0x0], $0xffff;
	v5 =	vnsel vm15, $0xC37F, v6  }
0xb5: {  	s1 =	sor.u32 $0x20, s19;
	s10 =	sor.u32 s10, s18;
	s28 =	sor.u32 s16, s17;
	vm2 =	vlt.s32 v9, $0xC37F;
	v3 =	vld [tilespmem:s22+$0x80];
	[tilespmem:s9+$0x0] =	vst v8;
	v8 =	vnsel vm1, $0xC37F, v7  }
0xb6: {  	s7 =	simm.s32 $0x600;
	s30 =	sor.u32 s30, s18;
	s12 =	sor.u32 s1, s17;
	v4 =	vld [tilespmem:s28+$0x80];
	[tilespmem:s10+$0x0] =	vst v10;
	v6 =	vnsel vm2, $0xC37F, v9  }
0xb7: {  	s6 =	sand.u32 $0x1F80, s6;
	s2 =	simm.s32 $0x8;
	v7 =	vld [tilespmem:s12+$0x80];
	s12 =	simm.s32 $0xC0;
	[tilespmem:s30+$0x0] =	vst v11  }
.LBB2_10:
0xb8: {  	s8 =	sand.u32 $0x40, s12;
	s10 =	sand.u32 $0xFC00, s7;
	s2 =	sadd.s32 $0x4, s2  }
0xb9: {  	vm0 =	vlt.s32 v2, $0xC37F;
	v9 =	vld.idx.msk [tilespmem:v5+s5+$0x0], $0xffff;
	s17 =	smov.u32 s14;
	s14 =	smov.u32 s12;
	s6 =	sadd.s32 $0x1C700, s6  }
0xba: {  	s10 =	sshrl.u32 s10, $0x2;
	p1 =	slt.u32 s2, $0x1FC;
	vm1 =	vlt.s32 v3, $0xC37F;
	v10 =	vnsel vm0, $0xC37F, v2;
	v11 =	vld.idx.msk [tilespmem:v8+s5+$0x0], $0xffff;
	s18 =	sor.u32 $0x30, s8  }
0xbb: {  	s3 =	sor.u32 s3, s6;
	s19 =	sor.u32 $0x10, s8;
	s10 =	sadd.s32 $0x18700, s10;
	v5 =	vnsel vm1, $0xC37F, v3;
	v12 =	vld.idx.msk [tilespmem:v6+s5+$0x0], $0xffff  }
0xbc: {  	s20 =	sor.u32 $0x20, s8;
	s21 =	sor.u32 s18, s10;
	vm0 =	vlt.s32 v4, $0xC37F;
	[tilespmem:s3+$0x0] =	vst v1;
	s3 =	sor.u32 s8, s10  }
.Ltmp4:
0xbd: {  	s8 =	sor.u32 s19, s10;
	s10 =	sor.u32 s20, s10;
	v2 =	vld [tilespmem:s21+$0x80];
	v8 =	vnsel vm0, $0xC37F, v4;
	vm0 =	vlt.s32 v7, $0xC37F;
	(pc) =	sbr.rel @p1 .LBB2_10-.Ltmp4, $4  }
0xbe: {  	s9 =	sadd.s32 $0x40, s9;
	s30 =	sor.u32 s0, s6;
	s21 =	sor.u32 s11, s6;
	v3 =	vld [tilespmem:s3+$0x80];
	v6 =	vnsel vm0, $0xC37F, v7  }
0xbf: {  	s11 =	smov.u32 s16;
	s3 =	smov.u32 s15;
	s15 =	smov.u32 s18;
	v1 =	vld.idx.msk [tilespmem:v10+s5+$0x0], $0xffff;
	[tilespmem:s9+$0x0] =	vst v9  }
0xc0: {  	s0 =	smov.u32 s1;
	s1 =	smov.u32 s20;
	s16 =	smov.u32 s19;
	v4 =	vld [tilespmem:s8+$0x80];
	[tilespmem:s21+$0x0] =	vst v11  }
0xc1: {  	s7 =	sadd.s32 $0x200, s7;
	s12 =	sadd.s32 $0x40, s12;
	s6 =	sand.u32 $0x1F80, s17;
	v7 =	vld [tilespmem:s10+$0x80];
	[tilespmem:s30+$0x0] =	vst v12  }
0xc2: {  	_ = 	snop  }
0xc3: {  	vm0 =	vlt.s32 v2, $0xC37F  }
0xc4: {  	vm1 =	vlt.s32 v3, $0xC37F;
	v2 =	vnsel vm0, $0xC37F, v2  }
0xc5: {  	v3 =	vnsel vm1, $0xC37F, v3;
	vm14 =	vlt.s32 v4, $0xC37F  }
0xc6: {  	v5 =	vld.idx.msk [tilespmem:v5+s5+$0x0], $0xffff;
	v4 =	vnsel vm14, $0xC37F, v4;
	vm15 =	vlt.s32 v7, $0xC37F  }
0xc7: {  	v8 =	vld.idx.msk [tilespmem:v8+s5+$0x0], $0xffff;
	v7 =	vnsel vm15, $0xC37F, v7  }
0xc8: {  	s2 =	sadd.s32 $0x1C700, s6;
	v6 =	vld.idx.msk [tilespmem:v6+s5+$0x0], $0xffff  }
0xc9: {  	s3 =	sor.u32 s3, s2;
	v2 =	vld.idx.msk [tilespmem:v2+s5+$0x0], $0xffff  }
0xca: {  	s19 =	sadd.s32 $0x40, s9;
	[tilespmem:s3+$0x0] =	vst v1;
	v1 =	vld.idx.msk [tilespmem:v3+s5+$0x0], $0xffff  }
0xcb: {  	s7 =	sand.u32 $0x1F80, s14;
	s6 =	sor.u32 s11, s2;
	[tilespmem:s19+$0x0] =	vst v5;
	v3 =	vld.idx.msk [tilespmem:v4+s5+$0x0], $0xffff  }
0xcc: {  	s0 =	sor.u32 s0, s2;
	s20 =	sadd.s32 $0x1C700, s7;
	[tilespmem:s6+$0x0] =	vst v8;
	v63 =	vld.idx.msk [tilespmem:v7+s5+$0x0], $0xffff  }
0xcd: {  	s21 =	sor.u32 s15, s20;
	[tilespmem:s0+$0x0] =	vst v6  }
0xce: {  	s22 =	sadd.s32 $0x40, s19;
	[tilespmem:s21+$0x0] =	vst v2  }
0xcf: {  	s28 =	sor.u32 s16, s20;
	[tilespmem:s22+$0x0] =	vst v1  }
0xd0: {  	s30 =	sor.u32 s1, s20;
	[tilespmem:s28+$0x0] =	vst v3  }
0xd1: {  	[tilespmem:s30+$0x0] =	vst v63  }
0xd2: {  	s0 =	rddreg [dreg:$0xd]  }
0xd3: {  	[tilespmem:s5], [sflag:$0x1] =	stream.strided.gather [hbm4b:s0+s23], $0xC380, s25, s23, $0x38;
	[tilespmem:$0x1EF00] =	vst v63  }
0xd4: {  	s0 =	simm.s32 @!p0 $0x6;
	[bflag:$0x0] =	sbarrier.arrive @p0 $0xFFFF  }
0xd5: {  	_ =	swait.ge @!p0 [sflag:s0], $0x800  }
0xd6: {  	[sflag:s0] =	ssyncset.done @!p0 $0x0  }
0xd7: {  	[sflag:s0] =	ssyncadd.s32 @!p0 $0xFFFFF800  }
0xd8: {  	s2 =	simm.s32 @!p0 $0x80;
	s1 =	simm.s32 @!p0 $0x20;
	[bflag:$0x0] =	sbarrier.arrive @!p0 $0xFFFF  }
0xd9: {  	s3 =	simm.s32 @!p0 $0x1C06;
	s0 =	simm.s32 @!p0 $0x1;
	s6 =	rddreg [dreg:$0xe]  }
0xda: {  	[spmem:s26@s1], [sflag:s3] =	dma.strided @!p0 [hbm:s6@s2], $0x800, s0, $0x10   }
0xdb: {  	s0 =	simm.s32 $0x0;
	s1 =	simm.s32 $0x0;
	s6 =	rddreg [dreg:$0x9]  }
.LBB2_12:
0xdc: {  	p1 =	sne.s32 s1, $0xFC00  }
.Ltmp5:
0xdd: {  	_ = 	snop;
	(pc) =	sbr.rel @p1 .LBB2_12-.Ltmp5, $4  }
0xde: {  	_ = 	snop  }
0xdf: {  	s2 =	sshra.s32 s1, $0x2  }
0xe0: {  	s1 =	sadd.s32 $0x400, s1;
	s3 =	sadd.s32 s2, s6;
	s2 =	sadd.s32 $0x18700, s2  }
0xe1: {  	[tilespmem:s2], [sflag:$0x3] =	stream.linear.gather [spmem:s3], $0x80, $0x38;
	[tilespmem:$0x1EF00] =	vst v63  }
0xe2: {  	p1 =	por $0x0, $0x0;
	s1 =	simm.s32 $0x1  }
0xe3: {  	s2 =	sand.u32 $0x7, s0;
	s1 =	simm.s32 @!p1 $0x0  }
0xe4: {  	s2 =	sshll.u32 s2, $0x4;
	s1 =	sshll.u32 s1, $0x6  }
0xe5: {  	s11 =	sand.u32 $0x3, s0;
	s2 =	sadd.s32 $0x0, s2;
	s1 =	sadd.s32 $0x0, s1  }
0xe6: {  	s14 =	simm.s32 $0x2;
	s3 =	sadd.s32 $0x30, s2;
	s1 =	sor.u32 $0x80, s1  }
0xe7: {  	s16 =	simm.s32 $0x4;
	s2 =	sadd.s32 $0x10, s2;
	s12 =	sor.u32 $0x80, s3;
	v1 =	vld [tilespmem:s1+$0x18700]  }
0xe8: {  	s0 =	sshll.u32 s11, $0x5;
	p1 =	por !p1, !p1;
	s2 =	sor.u32 $0x80, s2;
	v2 =	vld [tilespmem:s12+$0x18700]  }
0xe9: {  	s0 =	sadd.s32 $0x20, s0;
	v3 =	vld [tilespmem:s2+$0x18700];
	s1 =	sand.u32 $0x3, s14;
	s2 =	sand.u32 $0x7, s16  }
0xea: {  	s15 =	sshll.u32 s1, $0x5;
	s1 =	simm.s32 $0x1;
	s2 =	sshll.u32 s2, $0x4  }
0xeb: {  	s0 =	sor.u32 $0x80, s0;
	s1 =	simm.s32 @!p1 $0x0;
	s2 =	sadd.s32 $0x80, s2  }
0xec: {  	s17 =	simm.s32 $0x4;
	v4 =	vld [tilespmem:s0+$0x18700];
	s1 =	sshll.u32 s1, $0x6;
	s19 =	sadd.s32 $0x10, s2  }
0xed: {  	s22 =	sand.u32 $0x3, s17;
	s1 =	sadd.s32 $0x80, s1;
	s20 =	sor.u32 $0x80, s19  }
0xee: {  	s25 =	sshll.u32 s22, $0x5;
	s2 =	sadd.s32 $0x30, s2;
	v2 =	vadd.s32 $0xFFFF3C80, v2;
	s18 =	sor.u32 $0x80, s1;
	v13 =	vld [tilespmem:s20+$0x18700]  }
0xef: {  	p1 =	por !p1, !p1;
	s21 =	sor.u32 $0x80, s2;
	s2 =	simm.s32 $0x1;
	v1 =	vadd.s32 $0xFFFF3C80, v1;
	vm1 =	vgt.s32 v2, $0xFFFFFFFF;
	v7 =	vld [tilespmem:s18+$0x18700]  }
0xf0: {  	s26 =	sadd.s32 $0x120, s25;
	v6 =	vadd.s32 $0xFFFF3C80, v3;
	s2 =	simm.s32 @!p1 $0x0;
	vm0 =	vgt.s32 v1, $0xFFFFFFFF  }
0xf1: {  	s7 =	sor.u32 $0x80, s26;
	s0 =	sadd.s32 $0xA0, s15;
	v12 =	vadd.s32 $0xFFFF3C80, v4;
	v8 =	vld [tilespmem:s21+$0x18700];
	vm4 =	vgt.s32 v6, $0xFFFFFFFF;
	s6 =	sshll.u32 s2, $0x6  }
0xf2: {  	v11 =	vld [tilespmem:s7+$0x18700];
	s0 =	sor.u32 $0x80, s0;
	vm3 =	vgt.s32 v12, $0xFFFFFFFF;
	s6 =	sadd.s32 $0x100, s6  }
0xf3: {  	v3 =	vld [tilespmem:s0+$0x18700];
	s2 =	simm.s32 $0x8;
	s6 =	sor.u32 $0x80, s6  }
0xf4: {  	s8 =	simm.s32 $0x30;
	s10 =	simm.s32 $0x0;
	vm2 =	vmmov vm1;
	s9 =	sand.u32 $0x7, s2;
	v4 =	vadd.s32 $0xFFFF3C80, v7;
	v7 =	vadd.s32 $0xFFFF3C80, v13;
	v13 =	vld [tilespmem:s6+$0x18700]  }
0xf5: {  	s28 =	simm.s32 $0x10;
	v10 =	vor.u32 s8, v0;
	s3 =	simm.s32 $0x8;
	s11 =	sshll.u32 s9, $0x4;
	v5 =	vld.idx.msk [tilespmem:v2+s24+$0x0], vm1;
	vm1 =	vmmov vm0  }
0xf6: {  	v9 =	vor.u32 s10, v0;
	s7 =	simm.s32 $0x20;
	s0 =	simm.s32 $0x120;
	s11 =	sadd.s32 $0x100, s11;
	v8 =	vadd.s32 $0xFFFF3C80, v8;
	v1 =	vld.idx.msk [tilespmem:v1+s24+$0x0], vm0  }
0xf7: {  	s1 =	simm.s32 $0x6;
	s30 =	sadd.s32 $0x10, s11;
	s11 =	sadd.s32 $0x30, s11;
	vm6 =	vgt.s32 v8, $0xFFFFFFFF;
	vm0 =	vmmov vm4;
	v2 =	vld.idx.msk [tilespmem:v6+s24+$0x0], vm4;
	vm4 =	vgt.s32 v4, $0xFFFFFFFF  }
0xf8: {  	s9 =	simm.s32 $0x100;
	s6 =	sor.u32 $0x80, s30;
	s11 =	sor.u32 $0x80, s11;
	v6 =	vld.idx.msk [tilespmem:v12+s24+$0x0], vm3;
	vm3 =	vmmov vm3;
	vm5 =	vgt.s32 v7, $0xFFFFFFFF;
	v12 =	vor.u32 s28, v0  }
.LBB2_14:
0xf9: {  	s10 =	sand.u32 $0x3, s1;
	p1 =	por !p1, !p1  }
0xfa: {  	v14 =	vld [tilespmem:s11+$0x18700];
	v15 =	vadd.s32 $0xFFFF3C80, v3;
	v16 =	vor.u32 s7, v0;
	[tilespmem:v10+s29+$0x0] =	vst.idx.msk vm2, v5;
	vm2 =	vmmov vm6;
	s0 =	sadd.s32 $0x80, s0;
	s7 =	sshll.u32 s10, $0x5;
	s10 =	simm.s32 $0x1  }
0xfb: {  	s1 =	sadd.s32 $0x2, s1;
	s2 =	sadd.s32 $0x4, s2;
	v17 =	vld [tilespmem:s6+$0x18700];
	vm7 =	vgt.s32 v15, $0xFFFFFFFF;
	[tilespmem:v9+s29+$0x0] =	vst.idx.msk vm1, v1;
	vm1 =	vmmov vm4;
	s10 =	simm.s32 @!p1 $0x0  }
0xfc: {  	s3 =	sadd.s32 $0x4, s3;
	s6 =	sadd.s32 s7, s0;
	v3 =	vmov v11;
	s7 =	sshll.u32 s10, $0x6;
	v1 =	vld.idx.msk [tilespmem:v4+s24+$0x0], vm4  }
0xfd: {  	s8 =	sadd.s32 $0x40, s8;
	p2 =	slt.u32 s3, $0x1FC;
	s6 =	sor.u32 $0x80, s6;
	v5 =	vld.idx.msk [tilespmem:v8+s24+$0x0], vm6;
	[tilespmem:v12+s29+$0x0] =	vst.idx.msk vm0, v2;
	vm0 =	vmmov vm5  }
.Ltmp6:
0xfe: {  	s11 =	sadd.s32 $0xFFFFFFD0, s8;
	v10 =	vor.u32 s8, v0;
	s10 =	sand.u32 $0x7, s2;
	v4 =	vadd.s32 $0xFFFF3C80, v13;
	v2 =	vld.idx.msk [tilespmem:v7+s24+$0x0], vm5;
	(pc) =	sbr.rel @p2 .LBB2_14-.Ltmp6, $4  }
0xff: {  	s9 =	sadd.s32 $0x80, s9;
	v9 =	vor.u32 s11, v0;
	s10 =	sshll.u32 s10, $0x4;
	vm4 =	vgt.s32 v4, $0xFFFFFFFF;
	v8 =	vadd.s32 $0xFFFF3C80, v14;
	[tilespmem:v16+s29+$0x0] =	vst.idx.msk vm3, v6  }
0x100: {  	s7 =	sadd.s32 s7, s9;
	s10 =	sadd.s32 s10, s9;
	v7 =	vadd.s32 $0xFFFF3C80, v17;
	vm6 =	vgt.s32 v8, $0xFFFFFFFF;
	vm3 =	vmmov vm7;
	v11 =	vld [tilespmem:s6+$0x18700];
	s6 =	sadd.s32 $0xFFFFFFE0, s8  }
0x101: {  	s7 =	sor.u32 $0x80, s7;
	s11 =	sadd.s32 $0x10, s10;
	s10 =	sadd.s32 $0x30, s10;
	vm5 =	vgt.s32 v7, $0xFFFFFFFF;
	v12 =	vor.u32 s6, v0;
	v6 =	vld.idx.msk [tilespmem:v15+s24+$0x0], vm7  }
0x102: {  	s6 =	sor.u32 $0x80, s11;
	s11 =	sor.u32 $0x80, s10;
	v13 =	vld [tilespmem:s7+$0x18700];
	s7 =	sadd.s32 $0xFFFFFFF0, s8  }
0x103: {  	_ = 	snop  }
0x104: {  	v14 =	vld [tilespmem:s11+$0x18700]  }
0x105: {  	v15 =	vld [tilespmem:s6+$0x18700]  }
0x106: {  	v3 =	vadd.s32 $0xFFFF3C80, v3;
	v16 =	vor.u32 s7, v0  }
0x107: {  	vm7 =	vmmov vm4;
	s0 =	sadd.s32 $0x40, s8;
	vm9 =	vgt.s32 v3, $0xFFFFFFFF;
	v11 =	vadd.s32 $0xFFFF3C80, v11  }
0x108: {  	[tilespmem:v10+s29+$0x0] =	vst.idx.msk vm2, v5;
	v4 =	vld.idx.msk [tilespmem:v4+s24+$0x0], vm4;
	vm2 =	vmmov vm5;
	s20 =	sadd.s32 $0xFFFFFFE0, s0;
	vm4 =	vgt.s32 v11, $0xFFFFFFFF;
	v13 =	vadd.s32 $0xFFFF3C80, v13  }
0x109: {  	[tilespmem:v9+s29+$0x0] =	vst.idx.msk vm1, v1;
	v1 =	vld.idx.msk [tilespmem:v7+s24+$0x0], vm5;
	v56 =	vor.u32 s20, v0;
	v14 =	vadd.s32 $0xFFFF3C80, v14;
	vm11 =	vgt.s32 v13, $0xFFFFFFFF  }
0x10a: {  	vm8 =	vmmov vm6;
	v15 =	vadd.s32 $0xFFFF3C80, v15;
	vm10 =	vgt.s32 v14, $0xFFFFFFFF  }
0x10b: {  	v8 =	vld.idx.msk [tilespmem:v8+s24+$0x0], vm6;
	s1 =	sadd.s32 $0xFFFFFFD0, s0;
	v17 =	vor.u32 s0, v0;
	vm15 =	vgt.s32 v15, $0xFFFFFFFF  }
0x10c: {  	s21 =	sadd.s32 $0xFFFFFFF0, s0;
	s0 =	sadd.s32 $0x40, s0;
	v55 =	vor.u32 s1, v0  }
0x10d: {  	[tilespmem:v12+s29+$0x0] =	vst.idx.msk vm0, v2;
	s22 =	sadd.s32 $0xFFFFFFD0, s0;
	v58 =	vor.u32 s0, v0;
	s25 =	sadd.s32 $0xFFFFFFE0, s0;
	s0 =	sadd.s32 $0xFFFFFFF0, s0;
	v2 =	vld.idx.msk [tilespmem:v3+s24+$0x0], vm9;
	v3 =	vor.u32 s21, v0  }
0x10e: {  	v63 =	vor.u32 s0, v0;
	[tilespmem:v56+s29+$0x0] =	vst.idx.msk vm2, v1;
	v1 =	vld.idx.msk [tilespmem:v11+s24+$0x0], vm4  }
0x10f: {  	v60 =	vor.u32 s22, v0;
	[tilespmem:v16+s29+$0x0] =	vst.idx.msk vm3, v6;
	v59 =	vld.idx.msk [tilespmem:v13+s24+$0x0], vm11  }
0x110: {  	[tilespmem:v17+s29+$0x0] =	vst.idx.msk vm8, v8;
	vm14 =	vmmov vm15;
	v57 =	vld.idx.msk [tilespmem:v14+s24+$0x0], vm10  }
0x111: {  	v62 =	vor.u32 s25, v0;
	[tilespmem:v55+s29+$0x0] =	vst.idx.msk vm7, v4;
	v61 =	vld.idx.msk [tilespmem:v15+s24+$0x0], vm15  }
0x112: {  	[tilespmem:v3+s29+$0x0] =	vst.idx.msk vm9, v2  }
0x113: {  	[tilespmem:v63+s29+$0x0] =	vst.idx.msk vm4, v1  }
0x114: {  	[tilespmem:v60+s29+$0x0] =	vst.idx.msk vm11, v59  }
0x115: {  	[tilespmem:v58+s29+$0x0] =	vst.idx.msk vm10, v57  }
0x116: {  	s28 =	simm.s32 $0x400;
	[tilespmem:v62+s29+$0x0] =	vst.idx.msk vm14, v61  }
0x117: {  	s14 =	simm.s32 $0x400;
	s11 =	simm.s32 $0x1;
	s26 =	rddreg [dreg:$0x10]  }
0x118: {  	[tilespmem:s24], [sflag:$0x2] =	stream.strided.gather [hbm4b:s26+s23], $0xC380, s28, s23, $0x38;
	[tilespmem:$0x1EF00] =	vst v63  }
0x119: {  	p1 =	por $0x1, $0x1;
	s8 =	simm.s32 $0x2;
	vm5 =	vmmov vm9;
	s30 =	rddreg [dreg:$0x11]  }
0x11a: {  	vm13 =	vmmov vm11;
	vm12 =	vmmov vm10;
	vm15 =	vmmov vm4;
	[hbm4b:s30+s23] =	stream.strided.scatter [tilespmem:s29], [sflag:$0x5], $0x2000, s28, s23, $0x38;
	[tilespmem:$0x1EF00] =	vst v63  }
.LBB2_16:
0x11b: {  	s0 =	smin.u32 s8, $0x19  }
0x11c: {  	s0 =	sand.u32 $0x1, s0  }
0x11d: {  	s2 =	simm.s32 $0x3;
	s0 =	sshll.u32 s0, $0x7  }
0x11e: {  	s1 =	sshll.u32 s11, $0x7;
	s9 =	sadd.s32 s0, s4;
	s0 =	simm.s32 $0x1  }
0x11f: {  	s3 =	simm.s32 $0x18780;
	_ =	swait.ge [sflag:s2], $0x2000;
	s0 =	simm.s32 @!p1 $0x0  }
0x120: {  	s1 =	sand.u32 $0x80, s1;
	[sflag:s2] =	ssyncset.done $0x0;
	s0 =	sshll.u32 s0, $0x7  }
0x121: {  	s1 =	sadd.s32 s1, s4;
	[sflag:s2] =	ssyncadd.s32 $0xFFFFE000;
	s0 =	sadd.s32 s0, s13  }
0x122: {  	[dreg:$0x15] =	wrdreg s1;
	s1 =	simm.s32 $0x400;
	s2 =	sadd.s32 $0x0, s0  }
.LBB2_17:
0x123: {  	[tilespmem:s3], [sflag:$0x4] =	stream.linear.gather [spmem:s2], $0x80, $0x38;
	[tilespmem:$0x1EF00] =	vst v63  }
0x124: {  	s2 =	smov.u32 s1;
	p2 =	sne.s32 s1, $0xFC00  }
.Ltmp7:
0x125: {  	s1 =	sadd.s32 $0x400, s1;
	(pc) =	sbr.rel @p2 .LBB2_17-.Ltmp7, $3  }
0x126: {  	_ =	sdelay $0x1  }
0x127: {  	s3 =	sshra.s32 s2, $0x2  }
0x128: {  	s2 =	sadd.s32 s3, s0;
	s3 =	sadd.s32 $0x18780, s3  }
0x129: {  	[tilespmem:s3], [sflag:$0x4] =	stream.linear.gather [spmem:s2], $0x80, $0x38;
	[tilespmem:$0x1EF00] =	vst v63  }
0x12a: {  	s1 =	simm.s32 $0x1  }
0x12b: {  	_ =	swait.ge [sflag:s1], $0xC380  }
0x12c: {  	s0 =	simm.s32 $0x0;
	[sflag:s1] =	ssyncset.done $0x0  }
0x12d: {  	s12 =	simm.s32 $0x5;
	s10 =	sand.u32 $0xFC00, s0;
	[sflag:s1] =	ssyncadd.s32 $0xFFFF3C80  }
0x12e: {  	s15 =	sand.u32 $0x40, s0;
	s1 =	sshrl.u32 s10, $0x2;
	_ =	swait.ge [sflag:s12], $0x2000  }
0x12f: {  	s10 =	sor.u32 $0x30, s15;
	s1 =	sadd.s32 $0x18700, s1;
	[sflag:s12] =	ssyncset.done $0x0  }
0x130: {  	s16 =	sor.u32 s10, s1;
	[sflag:s12] =	ssyncadd.s32 $0xFFFFE000  }
0x131: {  	s17 =	sor.u32 s15, s1;
	s12 =	sor.u32 $0x10, s15;
	v1 =	vld [tilespmem:s16+$0x0]  }
0x132: {  	s7 =	sor.u32 $0x20, s15;
	s18 =	sor.u32 s12, s1;
	v2 =	vld [tilespmem:s17+$0x0]  }
0x133: {  	s19 =	simm.s32 $0x200;
	s1 =	sor.u32 s7, s1;
	v3 =	vld [tilespmem:s18+$0x0]  }
0x134: {  	s6 =	simm.s32 $0x40;
	s20 =	sand.u32 $0xFC00, s19;
	v4 =	vld [tilespmem:s1+$0x0]  }
0x135: {  	s21 =	sand.u32 $0x40, s6;
	s2 =	sshrl.u32 s20, $0x2  }
0x136: {  	s3 =	sor.u32 $0x30, s21;
	s2 =	sadd.s32 $0x18700, s2;
	vm0 =	vlt.s32 v1, $0xC37F  }
0x137: {  	s15 =	sor.u32 s3, s2;
	vm11 =	vlt.s32 v2, $0xC37F;
	v1 =	vnsel vm0, $0xC37F, v1  }
0x138: {  	v5 =	vld [tilespmem:s15+$0x0];
	s16 =	sor.u32 s21, s2;
	s15 =	sor.u32 $0x10, s21;
	v2 =	vnsel vm11, $0xC37F, v2;
	vm12 =	vlt.s32 v3, $0xC37F  }
0x139: {  	v7 =	vld [tilespmem:s16+$0x0];
	s18 =	sor.u32 $0x20, s21;
	s22 =	sor.u32 s15, s2;
	vm13 =	vlt.s32 v4, $0xC37F;
	v3 =	vnsel vm12, $0xC37F, v3  }
0x13a: {  	s2 =	sor.u32 s18, s2;
	v8 =	vld [tilespmem:s22+$0x0];
	v4 =	vnsel vm13, $0xC37F, v4  }
0x13b: {  	s25 =	simm.s32 $0x400;
	v9 =	vld [tilespmem:s2+$0x0]  }
0x13c: {  	s16 =	simm.s32 $0x80;
	s1 =	sand.u32 $0xFC00, s25;
	v1 =	vld.idx.msk [tilespmem:v1+s5+$0x0], $0xffff  }
0x13d: {  	s17 =	sand.u32 $0x40, s16;
	s1 =	sshrl.u32 s1, $0x2;
	vm14 =	vlt.s32 v5, $0xC37F;
	v6 =	vld.idx.msk [tilespmem:v2+s5+$0x0], $0xffff  }
0x13e: {  	s26 =	sand.u32 $0x1F80, s0;
	s20 =	sadd.s32 $0x18700, s1;
	s0 =	sor.u32 $0x30, s17;
	v5 =	vnsel vm14, $0xC37F, v5;
	v10 =	vld.idx.msk [tilespmem:v3+s5+$0x0], $0xffff  }
0x13f: {  	s30 =	sadd.s32 $0x1C700, s26;
	s1 =	sor.u32 s0, s20;
	v11 =	vld.idx.msk [tilespmem:v4+s5+$0x0], $0xffff  }
0x140: {  	s10 =	sor.u32 s10, s30;
	s21 =	sor.u32 s17, s20;
	vm15 =	vlt.s32 v7, $0xC37F;
	v2 =	vld [tilespmem:s1+$0x0];
	s1 =	sor.u32 $0x20, s17  }
0x141: {  	s2 =	simm.s32 $0x1C700;
	s19 =	sor.u32 $0x10, s17;
	vm1 =	vlt.s32 v8, $0xC37F;
	v3 =	vld [tilespmem:s21+$0x0];
	s17 =	sor.u32 s1, s20;
	v4 =	vnsel vm15, $0xC37F, v7;
	[tilespmem:s10+$0x0] =	vst v1  }
0x142: {  	s12 =	sor.u32 s12, s30;
	vm2 =	vlt.s32 v9, $0xC37F;
	v8 =	vnsel vm1, $0xC37F, v8;
	v7 =	vld [tilespmem:s17+$0x0];
	[tilespmem:s2+$0x0] =	vst v6  }
0x143: {  	s6 =	sand.u32 $0x1F80, s6;
	s30 =	sor.u32 s7, s30;
	s28 =	sor.u32 s19, s20;
	v1 =	vld.idx.msk [tilespmem:v5+s5+$0x0], $0xffff;
	v5 =	vnsel vm2, $0xC37F, v9;
	[tilespmem:s12+$0x0] =	vst v10  }
0x144: {  	s7 =	simm.s32 $0x600;
	s21 =	simm.s32 $0x8;
	v6 =	vld [tilespmem:s28+$0x0];
	s12 =	simm.s32 $0xC0;
	[tilespmem:s30+$0x0] =	vst v11  }
.LBB2_19:
0x145: {  	s10 =	sand.u32 $0x40, s12;
	s17 =	sand.u32 $0xFC00, s7;
	s21 =	sadd.s32 $0x4, s21  }
0x146: {  	vm0 =	vlt.s32 v2, $0xC37F;
	v9 =	vld.idx.msk [tilespmem:v4+s5+$0x0], $0xffff;
	s20 =	smov.u32 s16;
	s16 =	smov.u32 s12;
	s6 =	sadd.s32 $0x1C700, s6  }
0x147: {  	s17 =	sshrl.u32 s17, $0x2;
	p2 =	slt.u32 s21, $0x1FC;
	vm1 =	vlt.s32 v3, $0xC37F;
	v10 =	vnsel vm0, $0xC37F, v2;
	v11 =	vld.idx.msk [tilespmem:v8+s5+$0x0], $0xffff;
	s30 =	sor.u32 $0x30, s10  }
0x148: {  	s3 =	sor.u32 s3, s6;
	s25 =	sor.u32 $0x10, s10;
	s17 =	sadd.s32 $0x18700, s17;
	v4 =	vnsel vm1, $0xC37F, v3;
	v12 =	vld.idx.msk [tilespmem:v5+s5+$0x0], $0xffff  }
0x149: {  	s26 =	sor.u32 $0x20, s10;
	s28 =	sor.u32 s30, s17;
	vm0 =	vlt.s32 v6, $0xC37F;
	[tilespmem:s3+$0x0] =	vst v1;
	s3 =	sor.u32 s10, s17  }
.Ltmp8:
0x14a: {  	s10 =	sor.u32 s25, s17;
	s17 =	sor.u32 s26, s17;
	v2 =	vld [tilespmem:s28+$0x0];
	v8 =	vnsel vm0, $0xC37F, v6;
	vm0 =	vlt.s32 v7, $0xC37F;
	(pc) =	sbr.rel @p2 .LBB2_19-.Ltmp8, $4  }
0x14b: {  	s2 =	sadd.s32 $0x40, s2;
	s22 =	sor.u32 s18, s6;
	s28 =	sor.u32 s15, s6;
	v3 =	vld [tilespmem:s3+$0x0];
	v5 =	vnsel vm0, $0xC37F, v7  }
0x14c: {  	s15 =	smov.u32 s19;
	s3 =	smov.u32 s0;
	s0 =	smov.u32 s30;
	v1 =	vld.idx.msk [tilespmem:v10+s5+$0x0], $0xffff;
	[tilespmem:s2+$0x0] =	vst v9  }
0x14d: {  	s18 =	smov.u32 s1;
	s1 =	smov.u32 s26;
	s19 =	smov.u32 s25;
	v6 =	vld [tilespmem:s10+$0x0];
	[tilespmem:s28+$0x0] =	vst v11  }
0x14e: {  	s7 =	sadd.s32 $0x200, s7;
	s12 =	sadd.s32 $0x40, s12;
	s6 =	sand.u32 $0x1F80, s20;
	v7 =	vld [tilespmem:s17+$0x0];
	[tilespmem:s22+$0x0] =	vst v12  }
0x14f: {  	_ = 	snop  }
0x150: {  	vm0 =	vlt.s32 v2, $0xC37F  }
0x151: {  	vm1 =	vlt.s32 v3, $0xC37F;
	v2 =	vnsel vm0, $0xC37F, v2  }
0x152: {  	v3 =	vnsel vm1, $0xC37F, v3;
	vm0 =	vlt.s32 v6, $0xC37F  }
0x153: {  	v4 =	vld.idx.msk [tilespmem:v4+s5+$0x0], $0xffff;
	v6 =	vnsel vm0, $0xC37F, v6;
	vm0 =	vlt.s32 v7, $0xC37F  }
0x154: {  	v8 =	vld.idx.msk [tilespmem:v8+s5+$0x0], $0xffff;
	v7 =	vnsel vm0, $0xC37F, v7  }
0x155: {  	s6 =	sadd.s32 $0x1C700, s6;
	v5 =	vld.idx.msk [tilespmem:v5+s5+$0x0], $0xffff  }
0x156: {  	s3 =	sor.u32 s3, s6;
	v2 =	vld.idx.msk [tilespmem:v2+s5+$0x0], $0xffff  }
0x157: {  	s2 =	sadd.s32 $0x40, s2;
	[tilespmem:s3+$0x0] =	vst v1;
	v1 =	vld.idx.msk [tilespmem:v3+s5+$0x0], $0xffff  }
0x158: {  	s7 =	sand.u32 $0x1F80, s16;
	s25 =	sor.u32 s15, s6;
	[tilespmem:s2+$0x0] =	vst v4;
	v3 =	vld.idx.msk [tilespmem:v6+s5+$0x0], $0xffff  }
0x159: {  	s6 =	sor.u32 s18, s6;
	s26 =	sadd.s32 $0x1C700, s7;
	[tilespmem:s25+$0x0] =	vst v8;
	v4 =	vld.idx.msk [tilespmem:v7+s5+$0x0], $0xffff  }
0x15a: {  	s0 =	sor.u32 s0, s26;
	[tilespmem:s6+$0x0] =	vst v5  }
0x15b: {  	s28 =	sadd.s32 $0x40, s2;
	[tilespmem:s0+$0x0] =	vst v2  }
0x15c: {  	s30 =	sor.u32 s19, s26;
	[tilespmem:s28+$0x0] =	vst v1  }
0x15d: {  	s3 =	sor.u32 s1, s26;
	s2 =	simm.s32 $0x30;
	[tilespmem:s30+$0x0] =	vst v3  }
0x15e: {  	s7 =	simm.s32 $0x2;
	s6 =	simm.s32 $0x0;
	s10 =	sand.u32 $0x70, s2;
	[tilespmem:s3+$0x0] =	vst v4  }
0x15f: {  	s0 =	sand.u32 $0x3F00, s6;
	s6 =	simm.s32 $0x0;
	_ =	swait.ge [sflag:s7], $0xC380  }
0x160: {  	s0 =	sadd.s32 $0x18700, s0;
	s3 =	simm.s32 $0x10;
	[sflag:s7] =	ssyncset.done $0x0  }
0x161: {  	s1 =	sor.u32 s10, s0;
	s12 =	sand.u32 $0x50, s3;
	[sflag:s7] =	ssyncadd.s32 $0xFFFF3C80  }
0x162: {  	s15 =	sand.u32 $0x40, s6;
	s10 =	simm.s32 $0x20;
	s7 =	sor.u32 s12, s0;
	v1 =	vld [tilespmem:s1+$0x0]  }
0x163: {  	s17 =	simm.s32 $0x80;
	s16 =	sand.u32 $0x60, s10;
	s1 =	sor.u32 s15, s0;
	v2 =	vld [tilespmem:s7+$0x0]  }
0x164: {  	s18 =	sand.u32 $0x3F00, s17;
	s12 =	simm.s32 $0x50;
	s0 =	sor.u32 s16, s0;
	v3 =	vld [tilespmem:s1+$0x0]  }
0x165: {  	s19 =	sadd.s32 $0x18700, s18;
	s22 =	sand.u32 $0x50, s12;
	v4 =	vld [tilespmem:s0+$0x0];
	s1 =	simm.s32 $0x70  }
0x166: {  	s26 =	simm.s32 $0x60;
	s16 =	sor.u32 s22, s19;
	s20 =	sand.u32 $0x70, s1  }
0x167: {  	s21 =	simm.s32 $0x40;
	s28 =	sand.u32 $0x60, s26;
	v7 =	vld [tilespmem:s16+$0x0];
	s7 =	sor.u32 s20, s19;
	v1 =	vadd.s32 $0xFFFF3C80, v1  }
0x168: {  	s25 =	sand.u32 $0x40, s21;
	s0 =	sor.u32 s28, s19;
	v5 =	vld [tilespmem:s7+$0x0];
	v2 =	vadd.s32 $0xFFFF3C80, v2;
	vm0 =	vgt.s32 v1, $0xFFFFFFFF  }
0x169: {  	s30 =	simm.s32 $0x100;
	v17 =	vld [tilespmem:s0+$0x0];
	s7 =	sor.u32 s25, s19;
	v3 =	vadd.s32 $0xFFFF3C80, v3;
	vm1 =	vgt.s32 v2, $0xFFFFFFFF  }
0x16a: {  	s0 =	simm.s32 $0xB0;
	v11 =	vld [tilespmem:s7+$0x0];
	s7 =	sand.u32 $0x3F00, s30;
	v10 =	vadd.s32 $0xFFFF3C80, v4;
	vm5 =	vgt.s32 v3, $0xFFFFFFFF  }
0x16b: {  	s18 =	sand.u32 $0x70, s0;
	s17 =	sadd.s32 $0x18700, s7;
	vm4 =	vgt.s32 v10, $0xFFFFFFFF  }
0x16c: {  	v18 =	vor.u32 s3, v0;
	s3 =	sor.u32 s18, s17  }
0x16d: {  	vm2 =	vmmov vm0;
	v15 =	vld [tilespmem:s3+$0x0];
	v19 =	vadd.s32 $0xFFFF3C80, v5  }
0x16e: {  	v20 =	vor.u32 s2, v0;
	s19 =	simm.s32 $0x90;
	vm3 =	vmmov vm1;
	vm7 =	vgt.s32 v19, $0xFFFFFFFF;
	v14 =	vld.idx.msk [tilespmem:v1+s24+$0x0], vm0  }
0x16f: {  	v6 =	vor.u32 s6, v0;
	s20 =	simm.s32 $0x80;
	v4 =	vor.u32 s19, v0;
	v9 =	vadd.s32 $0xFFFF3C80, v7;
	v21 =	vld.idx.msk [tilespmem:v2+s24+$0x0], vm1  }
0x170: {  	s22 =	sand.u32 $0x40, s20;
	v5 =	vor.u32 s10, v0;
	v12 =	vadd.s32 $0xFFFF3C80, v11;
	vm0 =	vmmov vm5;
	v8 =	vld.idx.msk [tilespmem:v3+s24+$0x0], vm5  }
0x171: {  	s28 =	sor.u32 s22, s17;
	vm1 =	vmmov vm4;
	v3 =	vor.u32 s21, v0;
	s21 =	sand.u32 $0x50, s19;
	v13 =	vld.idx.msk [tilespmem:v10+s24+$0x0], vm4;
	vm4 =	vgt.s32 v9, $0xFFFFFFFF  }
0x172: {  	v11 =	vadd.s32 $0xFFFF3C80, v17;
	v17 =	vld [tilespmem:s28+$0x0];
	v2 =	vor.u32 s12, v0;
	v1 =	vor.u32 s26, v0;
	s26 =	simm.s32 $0xA0;
	s25 =	sor.u32 s21, s17  }
0x173: {  	s2 =	simm.s32 $0xB0;
	vm6 =	vgt.s32 v12, $0xFFFFFFFF;
	v10 =	vor.u32 s20, v0;
	s30 =	sand.u32 $0x60, s26;
	v7 =	vor.u32 s26, v0;
	v16 =	vld [tilespmem:s25+$0x0];
	[tilespmem:v20+s29+$0x0] =	vst.idx.msk vm2, v14  }
0x174: {  	s6 =	simm.s32 $0x180;
	s3 =	simm.s32 $0x8;
	vm5 =	vgt.s32 v11, $0xFFFFFFFF;
	s7 =	sor.u32 s30, s17;
	vm2 =	vmmov vm7;
	v14 =	vld.idx.msk [tilespmem:v19+s24+$0x0], vm7;
	[tilespmem:v18+s29+$0x0] =	vst.idx.msk vm3, v21;
	vm3 =	vmmov vm4  }
.LBB2_21:
0x175: {  	s10 =	sand.u32 $0x3F00, s6  }
0x176: {  	s3 =	sadd.s32 $0x4, s3;
	v18 =	vld [tilespmem:s7+$0x0];
	v19 =	vadd.s32 $0xFFFF3C80, v15;
	s0 =	sadd.s32 $0x40, s0;
	v20 =	vor.u32 s1, v0;
	[tilespmem:v6+s29+$0x0] =	vst.idx.msk vm0, v8;
	v6 =	vmovc v3;
	v3 =	vmovc v10;
	vm0 =	vmmov vm6;
	s1 =	sadd.s32 $0x18700, s10  }
0x177: {  	s7 =	sand.u32 $0x70, s0;
	p2 =	slt.u32 s3, $0x1FC;
	vm7 =	vgt.s32 v19, $0xFFFFFFFF;
	v21 =	vld.idx.msk [tilespmem:v9+s24+$0x0], vm4;
	s10 =	sadd.s32 $0xFFFFFFE0, s0  }
0x178: {  	s12 =	sadd.s32 $0xFFFFFFF0, s0;
	s15 =	sadd.s32 $0xFFFFFFD0, s0;
	s7 =	sor.u32 s7, s1;
	v9 =	vadd.s32 $0xFFFF3C80, v16;
	v8 =	vld.idx.msk [tilespmem:v12+s24+$0x0], vm6;
	[tilespmem:v5+s29+$0x0] =	vst.idx.msk vm1, v13;
	v5 =	vmovc v1;
	v1 =	vmov v7;
	vm1 =	vmmov vm5  }
.Ltmp9:
0x179: {  	s16 =	sand.u32 $0x50, s10;
	v22 =	vor.u32 s10, v0;
	s10 =	sand.u32 $0x60, s12;
	v15 =	vld [tilespmem:s7+$0x0];
	v12 =	vadd.s32 $0xFFFF3C80, v17;
	vm4 =	vgt.s32 v9, $0xFFFFFFFF;
	(pc) =	sbr.rel @p2 .LBB2_21-.Ltmp9, $4  }
0x17a: {  	s17 =	sand.u32 $0x40, s15;
	v10 =	vor.u32 s15, v0;
	v7 =	vor.u32 s12, v0;
	s15 =	sor.u32 s16, s1;
	s7 =	sor.u32 s10, s1;
	vm6 =	vgt.s32 v12, $0xFFFFFFFF;
	v13 =	vld.idx.msk [tilespmem:v11+s24+$0x0], vm5  }
0x17b: {  	s10 =	sor.u32 s17, s1;
	s1 =	smov.u32 s2;
	s2 =	smov.u32 s0;
	v16 =	vld [tilespmem:s15+$0x0];
	v11 =	vadd.s32 $0xFFFF3C80, v18;
	[tilespmem:v20+s29+$0x0] =	vst.idx.msk vm2, v14;
	vm2 =	vmmov vm7  }
0x17c: {  	v17 =	vld [tilespmem:s10+$0x0];
	vm5 =	vgt.s32 v11, $0xFFFFFFFF  }
0x17d: {  	s6 =	sadd.s32 $0x80, s6;
	v14 =	vld.idx.msk [tilespmem:v19+s24+$0x0], vm7;
	[tilespmem:v2+s29+$0x0] =	vst.idx.msk vm3, v21;
	v2 =	vmov v4;
	v4 =	vmov v22;
	vm3 =	vmmov vm4  }
0x17e: {  	_ = 	snop  }
0x17f: {  	v18 =	vld [tilespmem:s7+$0x0];
	v15 =	vadd.s32 $0xFFFF3C80, v15  }
0x180: {  	vm7 =	vgt.s32 v15, $0xFFFFFFFF;
	v16 =	vadd.s32 $0xFFFF3C80, v16  }
0x181: {  	vm8 =	vgt.s32 v16, $0xFFFFFFFF  }
0x182: {  	v19 =	vor.u32 s1, v0  }
0x183: {  	v9 =	vld.idx.msk [tilespmem:v9+s24+$0x0], vm4;
	v17 =	vadd.s32 $0xFFFF3C80, v17  }
0x184: {  	vm10 =	vmmov vm6;
	[tilespmem:v6+s29+$0x0] =	vst.idx.msk vm0, v8;
	v6 =	vld.idx.msk [tilespmem:v11+s24+$0x0], vm5;
	vm9 =	vgt.s32 v17, $0xFFFFFFFF;
	v18 =	vadd.s32 $0xFFFF3C80, v18  }
0x185: {  	v12 =	vld.idx.msk [tilespmem:v12+s24+$0x0], vm6;
	vm11 =	vgt.s32 v18, $0xFFFFFFFF  }
0x186: {  	v8 =	vor.u32 s2, v0;
	[tilespmem:v5+s29+$0x0] =	vst.idx.msk vm1, v13;
	v5 =	vld.idx.msk [tilespmem:v15+s24+$0x0], vm7  }
0x187: {  	[tilespmem:v19+s29+$0x0] =	vst.idx.msk vm2, v14;
	v11 =	vld.idx.msk [tilespmem:v16+s24+$0x0], vm8  }
0x188: {  	[tilespmem:v2+s29+$0x0] =	vst.idx.msk vm3, v9  }
0x189: {  	[tilespmem:v1+s29+$0x0] =	vst.idx.msk vm5, v6  }
0x18a: {  	[tilespmem:v3+s29+$0x0] =	vst.idx.msk vm10, v12;
	v2 =	vld.idx.msk [tilespmem:v17+s24+$0x0], vm9  }
0x18b: {  	v3 =	vld.idx.msk [tilespmem:v18+s24+$0x0], vm11;
	[tilespmem:v8+s29+$0x0] =	vst.idx.msk vm7, v5  }
0x18c: {  	[tilespmem:v4+s29+$0x0] =	vst.idx.msk vm8, v11  }
0x18d: {  	s0 =	sshll.u32 s11, $0x13;
	s25 =	rddreg [dreg:$0xb]  }
0x18e: {  	s0 =	sor.u32 s25, s0  }
0x18f: {  	s26 =	rddreg [dreg:$0x2];
	[tilespmem:v10+s29+$0x0] =	vst.idx.msk vm9, v2;
	s15 =	sshrl.u32 s0, $0x3  }
0x190: {  	s16 =	simm.s32 $0x1C700;
	s28 =	simm.s32 $0x4;
	[tilespmem:v7+s29+$0x0] =	vst.idx.msk vm11, v3;
	s0 =	sadd.s32 s26, s15  }
0x191: {  	[hbm4b:s0+s23] =	stream.strided.scatter [tilespmem:s16], [sflag:$0x5], $0x2000, s14, s23, $0x38;
	[tilespmem:$0x1EF00] =	vst v63  }
0x192: {  	_ =	swait.ge [sflag:s28], $0x2000  }
0x193: {  	s30 =	simm.s32 $0x0;
	[sflag:s28] =	ssyncset.done $0x0  }
0x194: {  	s6 =	simm.s32 $0x5;
	s3 =	sand.u32 $0xFC00, s30;
	[sflag:s28] =	ssyncadd.s32 $0xFFFFE000  }
0x195: {  	s7 =	sand.u32 $0x40, s30;
	s1 =	sshrl.u32 s3, $0x2;
	_ =	swait.ge [sflag:s6], $0x2000  }
0x196: {  	s3 =	sor.u32 $0x30, s7;
	s1 =	sadd.s32 $0x18700, s1;
	[sflag:s6] =	ssyncset.done $0x0  }
0x197: {  	s12 =	sor.u32 s3, s1;
	[sflag:s6] =	ssyncadd.s32 $0xFFFFE000;
	s6 =	sor.u32 $0x10, s7  }
0x198: {  	v1 =	vld [tilespmem:s12+$0x80];
	s17 =	sor.u32 s6, s1  }
0x199: {  	s18 =	simm.s32 $0x200;
	s10 =	sor.u32 $0x20, s7;
	s2 =	sor.u32 s7, s1;
	v2 =	vld [tilespmem:s17+$0x80]  }
0x19a: {  	s19 =	sand.u32 $0xFC00, s18;
	s7 =	simm.s32 $0x40;
	s1 =	sor.u32 s10, s1;
	v3 =	vld [tilespmem:s2+$0x80]  }
0x19b: {  	s12 =	sand.u32 $0x40, s7;
	v4 =	vld [tilespmem:s1+$0x80];
	s1 =	sshrl.u32 s19, $0x2  }
0x19c: {  	s2 =	sor.u32 $0x30, s12;
	s1 =	sadd.s32 $0x18700, s1  }
0x19d: {  	s17 =	sor.u32 s2, s1  }
0x19e: {  	vm6 =	vmmov vm11;
	v5 =	vld [tilespmem:s17+$0x80];
	vm11 =	vlt.s32 v2, $0xC37F  }
0x19f: {  	vm1 =	vlt.s32 v3, $0xC37F;
	v2 =	vnsel vm11, $0xC37F, v2  }
0x1a0: {  	vm12 =	vmmov vm5;
	s18 =	sor.u32 $0x10, s12;
	s19 =	sor.u32 s12, s1;
	vm0 =	vlt.s32 v1, $0xC37F;
	v3 =	vnsel vm1, $0xC37F, v3  }
0x1a1: {  	s21 =	sor.u32 $0x20, s12;
	s20 =	sor.u32 s18, s1;
	v6 =	vld [tilespmem:s19+$0x80];
	v1 =	vnsel vm0, $0xC37F, v1;
	vm12 =	vlt.s32 v4, $0xC37F  }
0x1a2: {  	vm13 =	vmmov vm7;
	s1 =	sor.u32 s21, s1;
	v7 =	vld [tilespmem:s20+$0x80];
	v4 =	vnsel vm12, $0xC37F, v4  }
0x1a3: {  	s22 =	simm.s32 $0x400;
	v9 =	vld [tilespmem:s1+$0x80];
	vm13 =	vlt.s32 v5, $0xC37F  }
0x1a4: {  	s23 =	sand.u32 $0xFC00, s22;
	s19 =	simm.s32 $0x80;
	v5 =	vnsel vm13, $0xC37F, v5;
	v2 =	vld.idx.msk [tilespmem:v2+s5+$0x0], $0xffff  }
0x1a5: {  	s1 =	sshrl.u32 s23, $0x2;
	s25 =	sand.u32 $0x40, s19;
	v8 =	vld.idx.msk [tilespmem:v3+s5+$0x0], $0xffff  }
0x1a6: {  	s26 =	sand.u32 $0x1F80, s30;
	s20 =	sadd.s32 $0x18700, s1;
	s0 =	sor.u32 $0x30, s25;
	v1 =	vld.idx.msk [tilespmem:v1+s5+$0x0], $0xffff  }
0x1a7: {  	vm14 =	vmmov vm8;
	s17 =	sadd.s32 $0x1C700, s26;
	s1 =	sor.u32 s0, s20;
	v10 =	vld.idx.msk [tilespmem:v4+s5+$0x0], $0xffff  }
0x1a8: {  	vm15 =	vmmov vm9;
	s6 =	sor.u32 s6, s17;
	vm14 =	vlt.s32 v6, $0xC37F;
	v3 =	vld [tilespmem:s1+$0x80]  }
0x1a9: {  	s22 =	sor.u32 s3, s17;
	s3 =	sor.u32 $0x10, s25;
	s28 =	sor.u32 s25, s20;
	vm15 =	vlt.s32 v7, $0xC37F;
	[tilespmem:s6+$0x0] =	vst v2;
	v2 =	vld.idx.msk [tilespmem:v5+s5+$0x0], $0xffff;
	v5 =	vnsel vm14, $0xC37F, v6  }
0x1aa: {  	s30 =	sor.u32 s3, s20;
	vm2 =	vlt.s32 v9, $0xC37F;
	s1 =	sor.u32 $0x20, s25;
	v4 =	vld [tilespmem:s28+$0x80];
	[tilespmem:s16+$0x0] =	vst v8;
	v8 =	vnsel vm15, $0xC37F, v7  }
0x1ab: {  	s7 =	sand.u32 $0x1F80, s7;
	s10 =	sor.u32 s10, s17;
	s12 =	sor.u32 s1, s20;
	[tilespmem:s22+$0x0] =	vst v1;
	v1 =	vld [tilespmem:s30+$0x80];
	v6 =	vnsel vm2, $0xC37F, v9  }
0x1ac: {  	s17 =	simm.s32 $0xC0;
	v7 =	vld [tilespmem:s12+$0x80];
	s12 =	simm.s32 $0x600;
	s6 =	simm.s32 $0x8;
	[tilespmem:s10+$0x0] =	vst v10  }
.LBB2_23:
0x1ad: {  	s10 =	sand.u32 $0x40, s17;
	s20 =	sand.u32 $0xFC00, s12;
	s6 =	sadd.s32 $0x4, s6  }
0x1ae: {  	vm0 =	vlt.s32 v3, $0xC37F;
	v9 =	vld.idx.msk [tilespmem:v5+s5+$0x0], $0xffff;
	s22 =	smov.u32 s19;
	s19 =	smov.u32 s17;
	s7 =	sadd.s32 $0x1C700, s7  }
0x1af: {  	s20 =	sshrl.u32 s20, $0x2;
	p2 =	slt.u32 s6, $0x1FC;
	vm1 =	vlt.s32 v4, $0xC37F;
	v10 =	vnsel vm0, $0xC37F, v3;
	v11 =	vld.idx.msk [tilespmem:v8+s5+$0x0], $0xffff;
	s25 =	sor.u32 $0x30, s10  }
0x1b0: {  	s2 =	sor.u32 s2, s7;
	s26 =	sor.u32 $0x10, s10;
	s20 =	sadd.s32 $0x18700, s20;
	v5 =	vnsel vm1, $0xC37F, v4;
	v12 =	vld.idx.msk [tilespmem:v6+s5+$0x0], $0xffff  }
0x1b1: {  	s28 =	sor.u32 $0x20, s10;
	s30 =	sor.u32 s25, s20;
	vm0 =	vlt.s32 v1, $0xC37F;
	[tilespmem:s2+$0x0] =	vst v2;
	s2 =	sor.u32 s10, s20  }
.Ltmp10:
0x1b2: {  	s10 =	sor.u32 s26, s20;
	s20 =	sor.u32 s28, s20;
	v3 =	vld [tilespmem:s30+$0x80];
	v8 =	vnsel vm0, $0xC37F, v1;
	vm0 =	vlt.s32 v7, $0xC37F;
	(pc) =	sbr.rel @p2 .LBB2_23-.Ltmp10, $4  }
0x1b3: {  	s16 =	sadd.s32 $0x40, s16;
	s23 =	sor.u32 s21, s7;
	s30 =	sor.u32 s18, s7;
	v4 =	vld [tilespmem:s2+$0x80];
	v6 =	vnsel vm0, $0xC37F, v7  }
0x1b4: {  	s18 =	smov.u32 s3;
	s2 =	smov.u32 s0;
	s0 =	smov.u32 s25;
	v2 =	vld.idx.msk [tilespmem:v10+s5+$0x0], $0xffff;
	[tilespmem:s16+$0x0] =	vst v9  }
0x1b5: {  	s21 =	smov.u32 s1;
	s1 =	smov.u32 s28;
	s3 =	smov.u32 s26;
	v1 =	vld [tilespmem:s10+$0x80];
	[tilespmem:s30+$0x0] =	vst v11  }
0x1b6: {  	s12 =	sadd.s32 $0x200, s12;
	s17 =	sadd.s32 $0x40, s17;
	s7 =	sand.u32 $0x1F80, s22;
	v7 =	vld [tilespmem:s20+$0x80];
	[tilespmem:s23+$0x0] =	vst v12  }
0x1b7: {  	_ = 	snop  }
0x1b8: {  	vm0 =	vlt.s32 v3, $0xC37F  }
0x1b9: {  	vm1 =	vlt.s32 v4, $0xC37F;
	v3 =	vnsel vm0, $0xC37F, v3  }
0x1ba: {  	v4 =	vnsel vm1, $0xC37F, v4  }
0x1bb: {  	v5 =	vld.idx.msk [tilespmem:v5+s5+$0x0], $0xffff  }
0x1bc: {  	v8 =	vld.idx.msk [tilespmem:v8+s5+$0x0], $0xffff;
	vm14 =	vlt.s32 v1, $0xC37F  }
0x1bd: {  	s6 =	sadd.s32 $0x1C700, s7;
	v6 =	vld.idx.msk [tilespmem:v6+s5+$0x0], $0xffff;
	v1 =	vnsel vm14, $0xC37F, v1;
	vm15 =	vlt.s32 v7, $0xC37F  }
0x1be: {  	s2 =	sor.u32 s2, s6;
	v7 =	vnsel vm15, $0xC37F, v7;
	v3 =	vld.idx.msk [tilespmem:v3+s5+$0x0], $0xffff  }
0x1bf: {  	s22 =	sadd.s32 $0x40, s16;
	[tilespmem:s2+$0x0] =	vst v2;
	v2 =	vld.idx.msk [tilespmem:v4+s5+$0x0], $0xffff  }
0x1c0: {  	s10 =	sand.u32 $0x1F80, s19;
	s7 =	sor.u32 s18, s6;
	[tilespmem:s22+$0x0] =	vst v5  }
0x1c1: {  	s16 =	sadd.s32 $0x1, s11;
	s6 =	sor.u32 s21, s6;
	s23 =	sadd.s32 $0x1C700, s10;
	[tilespmem:s7+$0x0] =	vst v8  }
0x1c2: {  	s12 =	smin.u32 s16, $0x19;
	s0 =	sor.u32 s0, s23;
	[tilespmem:s6+$0x0] =	vst v6;
	v1 =	vld.idx.msk [tilespmem:v1+s5+$0x0], $0xffff  }
0x1c3: {  	s26 =	sadd.s32 $0x40, s22;
	s25 =	smul.u32 $0x30E000, s12;
	v63 =	vld.idx.msk [tilespmem:v7+s5+$0x0], $0xffff;
	[tilespmem:s0+$0x0] =	vst v3  }
0x1c4: {  	s28 =	rddreg [dreg:$0x5];
	[tilespmem:s26+$0x0] =	vst v2  }
0x1c5: {  	s18 =	sadd.s32 s28, s25;
	s0 =	rddreg [dreg:$0x6]  }
0x1c6: {  	s30 =	sor.u32 s3, s23;
	s0 =	sor.u32 s0, s18  }
0x1c7: {  	s1 =	sor.u32 s1, s23;
	[tilespmem:s30+$0x0] =	vst v1;
	s0 =	sshrl.u32 s0, $0x3  }
0x1c8: {  	s23 =	simm.s32 $0x80;
	[tilespmem:s1+$0x0] =	vst v63;
	s0 =	sadd.s32 s31, s0  }
0x1c9: {  	[tilespmem:s5], [sflag:$0x1] =	stream.strided.gather [hbm4b:s0+s23], $0xC380, s14, s23, $0x38;
	[tilespmem:$0x1EF00] =	vst v63  }
0x1ca: {  	p2 =	slt.s32 @!p0 s11, $0x17;
	s0 =	simm.s32 @!p0 $0x6;
	[bflag:$0x0] =	sbarrier.arrive @p0 $0xFFFF  }
0x1cb: {  	p2 =	por !p2, p0;
	_ =	swait.ge @!p0 [sflag:s0], $0x800  }
0x1cc: {  	s11 =	simm.s32 @p2 $0x17;
	[sflag:s0] =	ssyncset.done @!p0 $0x0  }
0x1cd: {  	s1 =	sadd.s32 @!p0 $0x2, s11;
	[sflag:s0] =	ssyncadd.s32 @!p0 $0xFFFFF800  }
0x1ce: {  	s2 =	sshll.u32 @!p0 s1, $0x4;
	[bflag:$0x0] =	sbarrier.arrive @!p0 $0xFFFF  }
0x1cf: {  	s0 =	sshll.u32 @!p0 s1, $0xB;
	s1 =	sand.u32 @!p0 $0x70, s2;
	s2 =	rddreg [dreg:$0x0]  }
0x1d0: {  	s3 =	simm.s32 @!p0 $0x20;
	s0 =	sand.u32 @!p0 $0x1C000, s0;
	s1 =	sadd.s32 @!p0 s2, s1  }
0x1d1: {  	s6 =	simm.s32 @!p0 $0x80;
	s0 =	sadd.s32 @!p0 s0, s1;
	s1 =	rddreg [dreg:$0x15]  }
0x1d2: {  	s7 =	simm.s32 @!p0 $0x1C06;
	s2 =	simm.s32 @!p0 $0x1;
	s1 =	sshrl.u32 @!p0 s1, $0x3  }
0x1d3: {  	[spmem:s1@s3], [sflag:s7] =	dma.strided @!p0 [hbm:s0@s6], $0x800, s2, $0x10   }
0x1d4: {  	s0 =	simm.s32 $0x0;
	s1 =	simm.s32 $0x0  }
.LBB2_25:
0x1d5: {  	p2 =	sne.s32 s1, $0xFC00  }
.Ltmp11:
0x1d6: {  	_ = 	snop;
	(pc) =	sbr.rel @p2 .LBB2_25-.Ltmp11, $4  }
0x1d7: {  	_ = 	snop  }
0x1d8: {  	s2 =	sshra.s32 s1, $0x2  }
0x1d9: {  	s1 =	sadd.s32 $0x400, s1;
	s3 =	sadd.s32 s2, s9;
	s2 =	sadd.s32 $0x18700, s2  }
0x1da: {  	[tilespmem:s2], [sflag:$0x3] =	stream.linear.gather [spmem:s3], $0x80, $0x38;
	[tilespmem:$0x1EF00] =	vst v63  }
0x1db: {  	p2 =	por $0x0, $0x0;
	s1 =	simm.s32 $0x1  }
0x1dc: {  	s2 =	sand.u32 $0x7, s0;
	s1 =	simm.s32 @!p2 $0x0  }
0x1dd: {  	s2 =	sshll.u32 s2, $0x4;
	s1 =	sshll.u32 s1, $0x6  }
0x1de: {  	s7 =	sand.u32 $0x3, s0;
	s2 =	sadd.s32 $0x0, s2;
	s1 =	sadd.s32 $0x0, s1  }
0x1df: {  	s10 =	simm.s32 $0x2;
	s3 =	sadd.s32 $0x30, s2;
	s1 =	sor.u32 $0x80, s1  }
0x1e0: {  	s12 =	simm.s32 $0x4;
	s2 =	sadd.s32 $0x10, s2;
	s9 =	sor.u32 $0x80, s3;
	v1 =	vld [tilespmem:s1+$0x18700]  }
0x1e1: {  	s0 =	sshll.u32 s7, $0x5;
	p2 =	por !p2, !p2;
	s2 =	sor.u32 $0x80, s2;
	v2 =	vld [tilespmem:s9+$0x18700]  }
0x1e2: {  	s0 =	sadd.s32 $0x20, s0;
	v3 =	vld [tilespmem:s2+$0x18700];
	s1 =	sand.u32 $0x3, s10;
	s2 =	sand.u32 $0x7, s12  }
0x1e3: {  	s11 =	sshll.u32 s1, $0x5;
	s1 =	simm.s32 $0x1;
	s2 =	sshll.u32 s2, $0x4  }
0x1e4: {  	s0 =	sor.u32 $0x80, s0;
	s1 =	simm.s32 @!p2 $0x0;
	s2 =	sadd.s32 $0x80, s2  }
0x1e5: {  	s14 =	simm.s32 $0x4;
	v4 =	vld [tilespmem:s0+$0x18700];
	s1 =	sshll.u32 s1, $0x6;
	s19 =	sadd.s32 $0x10, s2  }
0x1e6: {  	s22 =	sand.u32 $0x3, s14;
	s1 =	sadd.s32 $0x80, s1;
	s20 =	sor.u32 $0x80, s19  }
0x1e7: {  	s25 =	sshll.u32 s22, $0x5;
	s2 =	sadd.s32 $0x30, s2;
	v2 =	vadd.s32 $0xFFFF3C80, v2;
	s17 =	sor.u32 $0x80, s1;
	v13 =	vld [tilespmem:s20+$0x18700]  }
0x1e8: {  	p2 =	por !p2, !p2;
	s21 =	sor.u32 $0x80, s2;
	s2 =	simm.s32 $0x1;
	v1 =	vadd.s32 $0xFFFF3C80, v1;
	vm1 =	vgt.s32 v2, $0xFFFFFFFF;
	v7 =	vld [tilespmem:s17+$0x18700]  }
0x1e9: {  	s26 =	sadd.s32 $0x120, s25;
	v6 =	vadd.s32 $0xFFFF3C80, v3;
	s2 =	simm.s32 @!p2 $0x0;
	vm0 =	vgt.s32 v1, $0xFFFFFFFF  }
0x1ea: {  	s7 =	sor.u32 $0x80, s26;
	s0 =	sadd.s32 $0xA0, s11;
	v12 =	vadd.s32 $0xFFFF3C80, v4;
	v8 =	vld [tilespmem:s21+$0x18700];
	vm4 =	vgt.s32 v6, $0xFFFFFFFF;
	s6 =	sshll.u32 s2, $0x6  }
0x1eb: {  	v11 =	vld [tilespmem:s7+$0x18700];
	s0 =	sor.u32 $0x80, s0;
	vm3 =	vgt.s32 v12, $0xFFFFFFFF;
	s6 =	sadd.s32 $0x100, s6  }
0x1ec: {  	v3 =	vld [tilespmem:s0+$0x18700];
	s2 =	simm.s32 $0x8;
	s6 =	sor.u32 $0x80, s6  }
0x1ed: {  	s28 =	simm.s32 $0x10;
	s9 =	simm.s32 $0x30;
	vm2 =	vmmov vm1;
	s10 =	sand.u32 $0x7, s2;
	v4 =	vadd.s32 $0xFFFF3C80, v7;
	v7 =	vadd.s32 $0xFFFF3C80, v13;
	v13 =	vld [tilespmem:s6+$0x18700]  }
0x1ee: {  	s3 =	simm.s32 $0x8;
	s12 =	simm.s32 $0x0;
	v10 =	vor.u32 s9, v0;
	s10 =	sshll.u32 s10, $0x4;
	v5 =	vld.idx.msk [tilespmem:v2+s24+$0x0], vm1;
	vm1 =	vmmov vm0  }
0x1ef: {  	s7 =	simm.s32 $0x20;
	v9 =	vor.u32 s12, v0;
	s11 =	simm.s32 $0x100;
	s10 =	sadd.s32 $0x100, s10;
	v8 =	vadd.s32 $0xFFFF3C80, v8;
	v1 =	vld.idx.msk [tilespmem:v1+s24+$0x0], vm0  }
0x1f0: {  	s0 =	simm.s32 $0x120;
	s30 =	sadd.s32 $0x10, s10;
	s10 =	sadd.s32 $0x30, s10;
	vm6 =	vgt.s32 v8, $0xFFFFFFFF;
	vm0 =	vmmov vm4;
	v2 =	vld.idx.msk [tilespmem:v6+s24+$0x0], vm4;
	vm4 =	vgt.s32 v4, $0xFFFFFFFF  }
0x1f1: {  	s1 =	simm.s32 $0x6;
	s6 =	sor.u32 $0x80, s30;
	s12 =	sor.u32 $0x80, s10;
	v6 =	vld.idx.msk [tilespmem:v12+s24+$0x0], vm3;
	vm3 =	vmmov vm3;
	vm5 =	vgt.s32 v7, $0xFFFFFFFF;
	v12 =	vor.u32 s28, v0  }
.LBB2_27:
0x1f2: {  	s10 =	sand.u32 $0x3, s1;
	p2 =	por !p2, !p2  }
0x1f3: {  	v14 =	vld [tilespmem:s12+$0x18700];
	v15 =	vadd.s32 $0xFFFF3C80, v3;
	v16 =	vor.u32 s7, v0;
	[tilespmem:v10+s29+$0x0] =	vst.idx.msk vm2, v5;
	vm2 =	vmmov vm6;
	s0 =	sadd.s32 $0x80, s0;
	s7 =	sshll.u32 s10, $0x5;
	s10 =	simm.s32 $0x1  }
0x1f4: {  	s1 =	sadd.s32 $0x2, s1;
	s2 =	sadd.s32 $0x4, s2;
	v17 =	vld [tilespmem:s6+$0x18700];
	vm7 =	vgt.s32 v15, $0xFFFFFFFF;
	[tilespmem:v9+s29+$0x0] =	vst.idx.msk vm1, v1;
	vm1 =	vmmov vm4;
	s10 =	simm.s32 @!p2 $0x0  }
0x1f5: {  	s3 =	sadd.s32 $0x4, s3;
	s6 =	sadd.s32 s7, s0;
	v3 =	vmov v11;
	s7 =	sshll.u32 s10, $0x6;
	v1 =	vld.idx.msk [tilespmem:v4+s24+$0x0], vm4  }
0x1f6: {  	s9 =	sadd.s32 $0x40, s9;
	p3 =	slt.u32 s3, $0x1FC;
	s6 =	sor.u32 $0x80, s6;
	v5 =	vld.idx.msk [tilespmem:v8+s24+$0x0], vm6;
	[tilespmem:v12+s29+$0x0] =	vst.idx.msk vm0, v2;
	vm0 =	vmmov vm5  }
.Ltmp12:
0x1f7: {  	s12 =	sadd.s32 $0xFFFFFFD0, s9;
	v10 =	vor.u32 s9, v0;
	s10 =	sand.u32 $0x7, s2;
	v4 =	vadd.s32 $0xFFFF3C80, v13;
	v2 =	vld.idx.msk [tilespmem:v7+s24+$0x0], vm5;
	(pc) =	sbr.rel @p3 .LBB2_27-.Ltmp12, $4  }
0x1f8: {  	s11 =	sadd.s32 $0x80, s11;
	v9 =	vor.u32 s12, v0;
	s10 =	sshll.u32 s10, $0x4;
	vm4 =	vgt.s32 v4, $0xFFFFFFFF;
	v8 =	vadd.s32 $0xFFFF3C80, v14;
	[tilespmem:v16+s29+$0x0] =	vst.idx.msk vm3, v6  }
0x1f9: {  	s7 =	sadd.s32 s7, s11;
	s10 =	sadd.s32 s10, s11;
	v7 =	vadd.s32 $0xFFFF3C80, v17;
	vm6 =	vgt.s32 v8, $0xFFFFFFFF;
	vm3 =	vmmov vm7;
	v11 =	vld [tilespmem:s6+$0x18700];
	s6 =	sadd.s32 $0xFFFFFFE0, s9  }
0x1fa: {  	s7 =	sor.u32 $0x80, s7;
	s12 =	sadd.s32 $0x10, s10;
	s10 =	sadd.s32 $0x30, s10;
	vm5 =	vgt.s32 v7, $0xFFFFFFFF;
	v12 =	vor.u32 s6, v0;
	v6 =	vld.idx.msk [tilespmem:v15+s24+$0x0], vm7  }
0x1fb: {  	s6 =	sor.u32 $0x80, s12;
	s12 =	sor.u32 $0x80, s10;
	v13 =	vld [tilespmem:s7+$0x18700];
	s7 =	sadd.s32 $0xFFFFFFF0, s9  }
0x1fc: {  	v14 =	vld [tilespmem:s12+$0x18700];
	_ =	sdelay $0x1  }
0x1fd: {  	v15 =	vld [tilespmem:s6+$0x18700]  }
0x1fe: {  	v3 =	vadd.s32 $0xFFFF3C80, v3  }
0x1ff: {  	vm9 =	vgt.s32 v3, $0xFFFFFFFF;
	v13 =	vadd.s32 $0xFFFF3C80, v13  }
0x200: {  	v16 =	vor.u32 s7, v0;
	v14 =	vadd.s32 $0xFFFF3C80, v14;
	vm11 =	vgt.s32 v13, $0xFFFFFFFF  }
0x201: {  	vm8 =	vmmov vm6;
	vm7 =	vmmov vm4;
	s0 =	sadd.s32 $0x40, s9;
	vm10 =	vgt.s32 v14, $0xFFFFFFFF  }
0x202: {  	v8 =	vld.idx.msk [tilespmem:v8+s24+$0x0], vm6;
	[tilespmem:v10+s29+$0x0] =	vst.idx.msk vm2, v5;
	vm2 =	vmmov vm5;
	s1 =	sadd.s32 $0xFFFFFFD0, s0;
	v17 =	vor.u32 s0, v0;
	v15 =	vadd.s32 $0xFFFF3C80, v15  }
0x203: {  	v4 =	vld.idx.msk [tilespmem:v4+s24+$0x0], vm4;
	s20 =	sadd.s32 $0xFFFFFFE0, s0;
	v11 =	vadd.s32 $0xFFFF3C80, v11;
	v55 =	vor.u32 s1, v0;
	vm15 =	vgt.s32 v15, $0xFFFFFFFF  }
0x204: {  	[tilespmem:v9+s29+$0x0] =	vst.idx.msk vm1, v1;
	v1 =	vld.idx.msk [tilespmem:v7+s24+$0x0], vm5;
	s21 =	sadd.s32 $0xFFFFFFF0, s0;
	s0 =	sadd.s32 $0x40, s0;
	v56 =	vor.u32 s20, v0;
	vm4 =	vgt.s32 v11, $0xFFFFFFFF  }
0x205: {  	[tilespmem:v12+s29+$0x0] =	vst.idx.msk vm0, v2;
	s22 =	sadd.s32 $0xFFFFFFD0, s0;
	v2 =	vld.idx.msk [tilespmem:v3+s24+$0x0], vm9;
	v3 =	vor.u32 s21, v0  }
0x206: {  	v60 =	vor.u32 s22, v0;
	[tilespmem:v16+s29+$0x0] =	vst.idx.msk vm3, v6;
	v59 =	vld.idx.msk [tilespmem:v13+s24+$0x0], vm11  }
0x207: {  	v58 =	vor.u32 s0, v0;
	[tilespmem:v17+s29+$0x0] =	vst.idx.msk vm8, v8;
	v57 =	vld.idx.msk [tilespmem:v14+s24+$0x0], vm10  }
0x208: {  	s25 =	sadd.s32 $0xFFFFFFE0, s0;
	vm14 =	vmmov vm15;
	[tilespmem:v55+s29+$0x0] =	vst.idx.msk vm7, v4  }
0x209: {  	s0 =	sadd.s32 $0xFFFFFFF0, s0;
	v62 =	vor.u32 s25, v0;
	[tilespmem:v56+s29+$0x0] =	vst.idx.msk vm2, v1;
	v61 =	vld.idx.msk [tilespmem:v15+s24+$0x0], vm15  }
0x20a: {  	v63 =	vor.u32 s0, v0;
	v1 =	vld.idx.msk [tilespmem:v11+s24+$0x0], vm4;
	[tilespmem:v3+s29+$0x0] =	vst.idx.msk vm9, v2  }
0x20b: {  	[tilespmem:v60+s29+$0x0] =	vst.idx.msk vm11, v59  }
0x20c: {  	[tilespmem:v58+s29+$0x0] =	vst.idx.msk vm10, v57  }
0x20d: {  	s26 =	rddreg [dreg:$0x12]  }
0x20e: {  	s28 =	simm.s32 $0x400;
	p2 =	sne.s32 s16, $0x1A;
	[tilespmem:v62+s29+$0x0] =	vst.idx.msk vm14, v61;
	s0 =	sadd.s32 s26, s18  }
.Ltmp13:
0x20f: {  	s14 =	simm.s32 $0x400;
	[tilespmem:v63+s29+$0x0] =	vst.idx.msk vm4, v1;
	s0 =	sshrl.u32 s0, $0x3;
	(pc) =	sbr.rel @p2 .LBB2_16-.Ltmp13, $4  }
0x210: {  	p1 =	por !p1, !p1;
	s30 =	rddreg [dreg:$0xf];
	s0 =	sadd.s32 s31, s0  }
0x211: {  	[tilespmem:s24], [sflag:$0x2] =	stream.strided.gather [hbm4b:s0+s23], $0xC380, s28, s23, $0x38;
	[tilespmem:$0x1EF00] =	vst v63  }
0x212: {  	s8 =	sadd.s32 $0x1, s8;
	s11 =	smov.u32 s16;
	vm5 =	vmmov vm9;
	s0 =	sadd.s32 s15, s30  }
0x213: {  	vm13 =	vmmov vm11;
	vm12 =	vmmov vm10;
	vm15 =	vmmov vm4;
	[hbm4b:s0+s23] =	stream.strided.scatter [tilespmem:s29], [sflag:$0x5], $0x2000, s28, s23, $0x38;
	[tilespmem:$0x1EF00] =	vst v63  }
0x214: {  	s0 =	simm.s32 $0x3  }
0x215: {  	_ =	swait.ge [sflag:s0], $0x2000  }
0x216: {  	[sflag:s0] =	ssyncset.done $0x0  }
0x217: {  	[sflag:s0] =	ssyncadd.s32 $0xFFFFE000;
	s0 =	simm.s32 @!p0 $0x6  }
0x218: {  	_ =	swait.ge @!p0 [sflag:s0], $0x800  }
0x219: {  	[sflag:s0] =	ssyncset.done @!p0 $0x0  }
0x21a: {  	s26 =	simm.s32 $0x1;
	[sflag:s0] =	ssyncadd.s32 @!p0 $0xFFFFF800  }
0x21b: {  	_ =	swait.ge [sflag:s26], $0xC380  }
0x21c: {  	[sflag:s26] =	ssyncset.done $0x0  }
0x21d: {  	s28 =	simm.s32 $0x2;
	[sflag:s26] =	ssyncadd.s32 $0xFFFF3C80  }
0x21e: {  	_ =	swait.ge [sflag:s28], $0xC380  }
0x21f: {  	[sflag:s28] =	ssyncset.done $0x0  }
0x220: {  	s1 =	simm.s32 $0x5;
	[sflag:s28] =	ssyncadd.s32 $0xFFFF3C80  }
0x221: {  	_ =	swait.ge [sflag:s1], $0x2000  }
0x222: {  	s2 =	rddreg [dreg:$0x14]  }
0x223: {  	s30 =	rddreg [dreg:$0x13];
	s2 =	sadd.s32 $0x1, s2  }
0x224: {  	p1 =	sne.s32 s2, s30  }
.Ltmp14:
0x225: {  	_ = 	snop;
	(pc) =	sbr.rel @p1 .LBB2_1-.Ltmp14, $3  }
0x226: {  	_ =	sdelay $0x1  }
0x227: {  	[sflag:s1] =	ssyncset.done $0x0  }
0x228: {  	s7 =	rddreg [dreg:$0x9];
	[sflag:s1] =	ssyncadd.s32 $0xFFFFE000  }
0x229: {  	_ =	sfence.sel $0x180000  }
0x22a: {  	[bflag:$0x0] =	sbarrier.arrive $0xFFFF  }
0x22b: {  	_ =	strace $0x90000047  }
0x22c: {  	[bflag:$0x2] =	sbarrier.arrive $0xFFFF  }
0x22d: {  	s0 =	rddreg [dreg:$0x4]  }
0x22e: {  	s0 =	sadd.s32 @!p0 $0x100000, s0  }
0x22f: {  	[sflag:s0] =	ssyncadd.tile.s32 @!p0 $0x1;
	_ =	shalt  }
.Lfunc_end2:
_tile_overlayer_lowered:
.L_overlay_start_2:
0x230: {  	(tag) =	ssettag $0x2  }
0x231: {  	s0 =	rddreg [dreg:$0x0];
	s2 =	stileid.u32  }
0x232: {  	s1 =	rddreg [dreg:$0x1];
	p0 =	sne.s32 s2, $0x0  }
0x233: {  	s3 =	rddreg [dreg:$0x2];
	[bflag:$0x3] =	sbarrier.arrive $0xFFFF;
	s2 =	simm.s32 @!p0 $0x1C07  }
0x234: {  	[timem:s3], [sflag:s2] =	dma.local @!p0 [hbm:s0], s1  }
0x235: {  	s0 =	simm.s32 @!p0 $0x7  }
0x236: {  	_ =	swait.ge @!p0 [sflag:s0], s1  }
0x237: {  	s1 =	ssub.s32 @!p0 $0x0, s1;
	[sflag:s0] =	ssyncset.done @!p0 $0x0  }
0x238: {  	[sflag:s0] =	ssyncadd.s32 @!p0 s1  }
0x239: {  	[bflag:$0x3] =	sbarrier.arrive $0xFFFF  }
0x23a: {  	_ =	shalt  }

</sc_bundles>
